<compile_context>
chip_gen: v7x
topology: tpu7x:2x2x1
jax: 0.10.2.dev20260603
libtpu: 0.0.44.dev20260713+nightly
codegen_flags: <defaults>
</compile_context>

<pallas_src>
import functools

import jax
import jax.numpy as jnp
from jax import lax
from jax.experimental import pallas as pl
from jax.experimental.pallas import tpu as pltpu
from jax.experimental.pallas import tpu_sc as plsc

VOCAB = 100000
EMBED_DIM = 300
D_PAD = 384
BATCH = 4096
SEQ = 50

B = BATCH * SEQ
SEQ_PAD = 56
BP = BATCH * SEQ_PAD
NC = 2
NS = 16
NW = NC * NS
B_PER_W = BP // NW
CHUNK = 112
N_CHUNKS = B_PER_W // CHUNK


def _make_gather():
    mesh = plsc.VectorSubcoreMesh(core_axis_name="c", subcore_axis_name="s")

    @functools.partial(
        pl.kernel,
        mesh=mesh,
        out_type=jax.ShapeDtypeStruct((BP, D_PAD), jnp.float32),
        scratch_types=[
            pltpu.VMEM((N_CHUNKS, CHUNK), jnp.int32),
            pltpu.VMEM((CHUNK, D_PAD), jnp.float32),
            pltpu.VMEM((CHUNK, D_PAD), jnp.float32),
            pltpu.SemaphoreType.DMA,
            pltpu.SemaphoreType.DMA,
            pltpu.SemaphoreType.DMA,
            pltpu.SemaphoreType.DMA,
        ],
        compiler_params=pltpu.CompilerParams(use_tc_tiling_on_sc=True),
    )
    def gather(x_hbm, table_hbm, out_hbm, idx_all, r0, r1, g0, g1, w0, w1):
        wid = lax.axis_index("s") * NC + lax.axis_index("c")
        base = wid * B_PER_W
        bufs = ((r0, g0, w0), (r1, g1, w1))

        pltpu.sync_copy(x_hbm.at[wid], idx_all)

        def wait_dma(dst_like, sem):
            pltpu.make_async_copy(table_hbm.at[pl.ds(0, CHUNK)],
                                  dst_like, sem).wait()

        def wait_store(src_like, off, sem):
            pltpu.make_async_copy(src_like,
                                  out_hbm.at[pl.ds(off, CHUNK)], sem).wait()

        for j in (0, 1):
            pltpu.async_copy(table_hbm.at[idx_all.at[j]], bufs[j][0],
                             bufs[j][1])

        def step(i2, carry):
            for j in (0, 1):
                g = 2 * i2 + j
                r, gs, ws = bufs[j]
                wait_dma(r, gs)
                pltpu.async_copy(r, out_hbm.at[pl.ds(base + g * CHUNK,
                                                     CHUNK)], ws)
            for j in (0, 1):
                g = 2 * i2 + j
                r, gs, ws = bufs[j]
                wait_store(r, base + g * CHUNK, ws)
                nxt = jnp.minimum(g + 2, N_CHUNKS - 1)
                pltpu.async_copy(table_hbm.at[idx_all.at[nxt]], r, gs)
            return carry

        lax.fori_loop(0, N_CHUNKS // 2, step, 0)

        for j in (0, 1):
            wait_dma(bufs[j][0], bufs[j][1])

    return gather


_gather = _make_gather()

TRB = 1024
_TR_GRID = -(-VOCAB // TRB)


def _transpose_pad_body(tt_ref, out_ref):
    t = tt_ref[...]
    out_ref[...] = jnp.concatenate(
        [t.T, jnp.zeros((TRB, D_PAD - EMBED_DIM), jnp.float32)], axis=1)


_transpose_pad = pl.pallas_call(
    _transpose_pad_body,
    grid=(_TR_GRID,),
    in_specs=[pl.BlockSpec((EMBED_DIM, TRB), lambda i: (0, i))],
    out_specs=pl.BlockSpec((TRB, D_PAD), lambda i: (i, 0)),
    out_shape=jax.ShapeDtypeStruct((VOCAB, D_PAD), jnp.float32),
)


def kernel(x, table):
    table_p = _transpose_pad(table.T)
    dummy = (jnp.arange(BATCH * (SEQ_PAD - SEQ), dtype=jnp.int32)
             % VOCAB).reshape(BATCH, SEQ_PAD - SEQ)
    xp = jnp.concatenate([x, dummy], axis=1).reshape(NW, N_CHUNKS, CHUNK)
    flat = _gather(xp, table_p)
    out3 = flat.reshape(BATCH, SEQ_PAD, D_PAD)
    return out3[:, :SEQ, :EMBED_DIM]

# --- scband reference (transcript-rebuilt; emitter-appended) ---
"""Pipeline reference for scband-glove-embedding-21534966022748 (READ-ONLY COPY).

The authoritative reference and input builder live on the scoring server;
editing this copy changes nothing except your own understanding.
"""

import jax, jax.numpy as jnp
import numpy as np

VOCAB = 100000
EMBED_DIM = 300
BATCH = 4096
SEQ = 50

def setup_inputs(seed: int = 0) -> dict:
    key = jax.random.key(seed)
    k1, k2 = jax.random.split(key)
    x = jax.random.randint(k1, (BATCH, SEQ), 0, VOCAB, dtype=jnp.int64) if jax.config.jax_enable_x64 else jax.random.randint(k1, (BATCH, SEQ), 0, VOCAB, dtype=jnp.int32)
    table = jax.random.normal(k2, (VOCAB, EMBED_DIM), dtype=jnp.float32)
    # padding_idx=0: embedding row 0 is zero
    table = table.at[0].set(0.0)
    return {"x": x, "table": table}

def reference(x, table):
    # nn.Embedding forward == row gather from the weight table
    return jnp.take(table, x, axis=0)

if __name__ == "__main__":
    import jax
    _d = setup_inputs()
    print(jax.jit(kernel)(*tuple(_d.values())))

</pallas_src>

<mosaic_0001>
#map = affine_map<(d0, d1) -> (0, 0, 0)>
#map1 = affine_map<(d0, d1) -> (0, 0)>
module attributes {stable_mosaic.version = 14 : i64} {
  func.func @gather(%arg0: i32, %arg1: i32, %arg2: memref<32x64x112xi32, #tpu.memory_space<hbm>>, %arg3: memref<100000x384xf32, #tpu.memory_space<hbm>>, %arg4: memref<229376x384xf32, #tpu.memory_space<hbm>>, %arg5: memref<64x112xi32, #tpu.memory_space<vmem>>, %arg6: memref<112x384xf32, #tpu.memory_space<vmem>>, %arg7: memref<112x384xf32, #tpu.memory_space<vmem>>, %arg8: memref<!tpu.dma_semaphore, #tpu.memory_space<semaphore_mem>>, %arg9: memref<!tpu.dma_semaphore, #tpu.memory_space<semaphore_mem>>, %arg10: memref<!tpu.dma_semaphore, #tpu.memory_space<semaphore_mem>>, %arg11: memref<!tpu.dma_semaphore, #tpu.memory_space<semaphore_mem>>) attributes {dimension_semantics = [#tpu.dimension_semantics<core_parallel>, #tpu.dimension_semantics<subcore_parallel>], iteration_bounds = array<i64: 2, 16>, scalar_prefetch = 0 : i64, scratch_operands = 7 : i64, tpu.core_type = #tpu.core_type<sc_vector_subcore>, window_params = [{transform_indices = #map}, {transform_indices = #map1}, {transform_indices = #map1}]} {
    %mul3A = arith.constant 2 : i32
    %mul3A_0 = arith.muli %arg1, %mul3A : i32
    %add3A = arith.addi %mul3A_0, %arg0 : i32
    %mul3A_1 = arith.constant 7168 : i32
    %mul3A_2 = arith.muli %add3A, %mul3A_1 : i32
    "tpu.region"() ({
      %run_scoped3A = tpu.sem_alloc : memref<!tpu.dma_semaphore, #tpu.memory_space<semaphore_mem>>
      %dma_start3A_32 = arith.constant 0 : i32
      %dma_start3A_33 = arith.constant 0 : i32
      %dma_start3A_34 = tpu.memref_slice %arg2[%add3A, %dma_start3A_32, %dma_start3A_33] : memref<32x64x112xi32, #tpu.memory_space<hbm>> -> memref<1x64x112xi32, #tpu.memory_space<hbm>>
      %dma_start3A_35 = tpu.memref_squeeze %dma_start3A_34 : memref<1x64x112xi32, #tpu.memory_space<hbm>> -> memref<64x112xi32, #tpu.memory_space<hbm>>
      %dma_start3A_36 = arith.constant 0 : i32
      %dma_start3A_37 = arith.constant 0 : i32
      %dma_start3A_38 = tpu.memref_slice %arg2[%add3A, %dma_start3A_36, %dma_start3A_37] : memref<32x64x112xi32, #tpu.memory_space<hbm>> -> memref<1x64x112xi32, #tpu.memory_space<hbm>>
      %dma_start3A_39 = tpu.memref_squeeze %dma_start3A_38 : memref<1x64x112xi32, #tpu.memory_space<hbm>> -> memref<64x112xi32, #tpu.memory_space<hbm>>
      tpu.enqueue_dma source(%dma_start3A_39 : memref<64x112xi32, #tpu.memory_space<hbm>>) target(%arg5 : memref<64x112xi32, #tpu.memory_space<vmem>>) target_semaphore(%run_scoped3A : memref<!tpu.dma_semaphore, #tpu.memory_space<semaphore_mem>>)
      %dma_wait3A_40 = arith.constant 0 : i32
      %dma_wait3A_41 = arith.constant 0 : i32
      %dma_wait3A_42 = tpu.memref_slice %arg2[%add3A, %dma_wait3A_40, %dma_wait3A_41] : memref<32x64x112xi32, #tpu.memory_space<hbm>> -> memref<1x64x112xi32, #tpu.memory_space<hbm>>
      %dma_wait3A_43 = tpu.memref_squeeze %dma_wait3A_42 : memref<1x64x112xi32, #tpu.memory_space<hbm>> -> memref<64x112xi32, #tpu.memory_space<hbm>>
      %dma_wait3A_44 = arith.constant 0 : i32
      %dma_wait3A_45 = arith.constant 0 : i32
      %dma_wait3A_46 = tpu.memref_slice %arg2[%add3A, %dma_wait3A_44, %dma_wait3A_45] : memref<32x64x112xi32, #tpu.memory_space<hbm>> -> memref<1x64x112xi32, #tpu.memory_space<hbm>>
      %dma_wait3A_47 = tpu.memref_squeeze %dma_wait3A_46 : memref<1x64x112xi32, #tpu.memory_space<hbm>> -> memref<64x112xi32, #tpu.memory_space<hbm>>
      tpu.wait_dma2 semaphore(%run_scoped3A : memref<!tpu.dma_semaphore, #tpu.memory_space<semaphore_mem>>) src(%dma_wait3A_47 : memref<64x112xi32, #tpu.memory_space<hbm>>) dst(%arg5 : memref<64x112xi32, #tpu.memory_space<vmem>>)
      tpu.yield
    }) : () -> ()
    %dma_start3A = arith.constant 0 : i32
    %dma_start3A_3 = arith.constant 0 : i32
    %dma_start3A_4 = tpu.memref_slice %arg5[%dma_start3A, %dma_start3A_3] : memref<64x112xi32, #tpu.memory_space<vmem>> -> memref<1x112xi32, #tpu.memory_space<vmem>>
    %dma_start3A_5 = tpu.memref_squeeze %dma_start3A_4 : memref<1x112xi32, #tpu.memory_space<vmem>> -> memref<112xi32, #tpu.memory_space<vmem>>
    %dma_start3A_6 = arith.constant 0 : i32
    %dma_start3A_7 = arith.constant 0 : i32
    %dma_start3A_8 = tpu.memref_slice %arg3[%dma_start3A_6, %dma_start3A_7] : memref<100000x384xf32, #tpu.memory_space<hbm>> -> memref<100000x384xf32, #tpu.memory_space<hbm>>
    tpu.enqueue_indirect_dma source(%dma_start3A_8 : memref<100000x384xf32, #tpu.memory_space<hbm>>) target(%arg6 : memref<112x384xf32, #tpu.memory_space<vmem>>) offsets(%dma_start3A_5 : memref<112xi32, #tpu.memory_space<vmem>>) semaphore(%arg8 : memref<!tpu.dma_semaphore, #tpu.memory_space<semaphore_mem>>)
    %dma_start3A_9 = arith.constant 1 : i32
    %dma_start3A_10 = arith.constant 0 : i32
    %dma_start3A_11 = tpu.memref_slice %arg5[%dma_start3A_9, %dma_start3A_10] : memref<64x112xi32, #tpu.memory_space<vmem>> -> memref<1x112xi32, #tpu.memory_space<vmem>>
    %dma_start3A_12 = tpu.memref_squeeze %dma_start3A_11 : memref<1x112xi32, #tpu.memory_space<vmem>> -> memref<112xi32, #tpu.memory_space<vmem>>
    %dma_start3A_13 = arith.constant 0 : i32
    %dma_start3A_14 = arith.constant 0 : i32
    %dma_start3A_15 = tpu.memref_slice %arg3[%dma_start3A_13, %dma_start3A_14] : memref<100000x384xf32, #tpu.memory_space<hbm>> -> memref<100000x384xf32, #tpu.memory_space<hbm>>
    tpu.enqueue_indirect_dma source(%dma_start3A_15 : memref<100000x384xf32, #tpu.memory_space<hbm>>) target(%arg7 : memref<112x384xf32, #tpu.memory_space<vmem>>) offsets(%dma_start3A_12 : memref<112xi32, #tpu.memory_space<vmem>>) semaphore(%arg9 : memref<!tpu.dma_semaphore, #tpu.memory_space<semaphore_mem>>)
    %scan3A = arith.constant 0 : i32
    %scan3A_16 = arith.constant 0 : i32
    %scan3A_17 = arith.constant 32 : i32
    %scan3A_18 = arith.addi %scan3A_16, %scan3A_17 : i32
    %scan3A_19 = arith.constant 1 : i32
    scf.for %scan3A_32 = %scan3A_16 to %scan3A_18 step %scan3A_19  : i32 {
      %mul3A_33 = arith.constant 2 : i32
      %mul3A_34 = arith.muli %mul3A_33, %scan3A_32 : i32
      %add3A_35 = arith.constant 0 : i32
      %add3A_36 = arith.addi %mul3A_34, %add3A_35 : i32
      %dma_wait3A_37 = arith.constant 0 : i32
      %dma_wait3A_38 = arith.constant 0 : i32
      %dma_wait3A_39 = tpu.memref_slice %arg3[%dma_wait3A_37, %dma_wait3A_38] : memref<100000x384xf32, #tpu.memory_space<hbm>> -> memref<112x384xf32, #tpu.memory_space<hbm>>
      %dma_wait3A_40 = arith.constant 0 : i32
      %dma_wait3A_41 = arith.constant 0 : i32
      %dma_wait3A_42 = tpu.memref_slice %arg3[%dma_wait3A_40, %dma_wait3A_41] : memref<100000x384xf32, #tpu.memory_space<hbm>> -> memref<112x384xf32, #tpu.memory_space<hbm>>
      tpu.wait_dma2 semaphore(%arg8 : memref<!tpu.dma_semaphore, #tpu.memory_space<semaphore_mem>>) src(%dma_wait3A_42 : memref<112x384xf32, #tpu.memory_space<hbm>>) dst(%arg6 : memref<112x384xf32, #tpu.memory_space<vmem>>)
      %mul3A_43 = arith.constant 112 : i32
      %mul3A_44 = arith.muli %add3A_36, %mul3A_43 : i32
      %add3A_45 = arith.addi %mul3A_2, %mul3A_44 : i32
      %dma_start3A_46 = arith.constant 0 : i32
      %dma_start3A_47 = tpu.memref_slice %arg4[%add3A_45, %dma_start3A_46] : memref<229376x384xf32, #tpu.memory_space<hbm>> -> memref<112x384xf32, #tpu.memory_space<hbm>>
      %dma_start3A_48 = arith.constant 0 : i32
      %dma_start3A_49 = tpu.memref_slice %arg4[%add3A_45, %dma_start3A_48] : memref<229376x384xf32, #tpu.memory_space<hbm>> -> memref<112x384xf32, #tpu.memory_space<hbm>>
      tpu.enqueue_dma source(%arg6 : memref<112x384xf32, #tpu.memory_space<vmem>>) target(%dma_start3A_49 : memref<112x384xf32, #tpu.memory_space<hbm>>) target_semaphore(%arg10 : memref<!tpu.dma_semaphore, #tpu.memory_space<semaphore_mem>>)
      %mul3A_50 = arith.constant 2 : i32
      %mul3A_51 = arith.muli %mul3A_50, %scan3A_32 : i32
      %add3A_52 = arith.constant 1 : i32
      %add3A_53 = arith.addi %mul3A_51, %add3A_52 : i32
      %dma_wait3A_54 = arith.constant 0 : i32
      %dma_wait3A_55 = arith.constant 0 : i32
      %dma_wait3A_56 = tpu.memref_slice %arg3[%dma_wait3A_54, %dma_wait3A_55] : memref<100000x384xf32, #tpu.memory_space<hbm>> -> memref<112x384xf32, #tpu.memory_space<hbm>>
      %dma_wait3A_57 = arith.constant 0 : i32
      %dma_wait3A_58 = arith.constant 0 : i32
      %dma_wait3A_59 = tpu.memref_slice %arg3[%dma_wait3A_57, %dma_wait3A_58] : memref<100000x384xf32, #tpu.memory_space<hbm>> -> memref<112x384xf32, #tpu.memory_space<hbm>>
      tpu.wait_dma2 semaphore(%arg9 : memref<!tpu.dma_semaphore, #tpu.memory_space<semaphore_mem>>) src(%dma_wait3A_59 : memref<112x384xf32, #tpu.memory_space<hbm>>) dst(%arg7 : memref<112x384xf32, #tpu.memory_space<vmem>>)
      %mul3A_60 = arith.constant 112 : i32
      %mul3A_61 = arith.muli %add3A_53, %mul3A_60 : i32
      %add3A_62 = arith.addi %mul3A_2, %mul3A_61 : i32
      %dma_start3A_63 = arith.constant 0 : i32
      %dma_start3A_64 = tpu.memref_slice %arg4[%add3A_62, %dma_start3A_63] : memref<229376x384xf32, #tpu.memory_space<hbm>> -> memref<112x384xf32, #tpu.memory_space<hbm>>
      %dma_start3A_65 = arith.constant 0 : i32
      %dma_start3A_66 = tpu.memref_slice %arg4[%add3A_62, %dma_start3A_65] : memref<229376x384xf32, #tpu.memory_space<hbm>> -> memref<112x384xf32, #tpu.memory_space<hbm>>
      tpu.enqueue_dma source(%arg7 : memref<112x384xf32, #tpu.memory_space<vmem>>) target(%dma_start3A_66 : memref<112x384xf32, #tpu.memory_space<hbm>>) target_semaphore(%arg11 : memref<!tpu.dma_semaphore, #tpu.memory_space<semaphore_mem>>)
      %mul3A_67 = arith.constant 2 : i32
      %mul3A_68 = arith.muli %mul3A_67, %scan3A_32 : i32
      %add3A_69 = arith.constant 0 : i32
      %add3A_70 = arith.addi %mul3A_68, %add3A_69 : i32
      %mul3A_71 = arith.constant 112 : i32
      %mul3A_72 = arith.muli %add3A_70, %mul3A_71 : i32
      %add3A_73 = arith.addi %mul3A_2, %mul3A_72 : i32
      %dma_wait3A_74 = arith.constant 0 : i32
      %dma_wait3A_75 = tpu.memref_slice %arg4[%add3A_73, %dma_wait3A_74] : memref<229376x384xf32, #tpu.memory_space<hbm>> -> memref<112x384xf32, #tpu.memory_space<hbm>>
      %dma_wait3A_76 = arith.constant 0 : i32
      %dma_wait3A_77 = tpu.memref_slice %arg4[%add3A_73, %dma_wait3A_76] : memref<229376x384xf32, #tpu.memory_space<hbm>> -> memref<112x384xf32, #tpu.memory_space<hbm>>
      tpu.wait_dma2 semaphore(%arg10 : memref<!tpu.dma_semaphore, #tpu.memory_space<semaphore_mem>>) src(%arg6 : memref<112x384xf32, #tpu.memory_space<vmem>>) dst(%dma_wait3A_77 : memref<112x384xf32, #tpu.memory_space<hbm>>)
      %add3A_78 = arith.constant 2 : i32
      %add3A_79 = arith.addi %add3A_70, %add3A_78 : i32
      %min3A = arith.constant 63 : i32
      %min3A_80 = arith.minsi %add3A_79, %min3A : i32
      %dma_start3A_81 = arith.constant 0 : i32
      %dma_start3A_82 = tpu.memref_slice %arg5[%min3A_80, %dma_start3A_81] : memref<64x112xi32, #tpu.memory_space<vmem>> -> memref<1x112xi32, #tpu.memory_space<vmem>>
      %dma_start3A_83 = tpu.memref_squeeze %dma_start3A_82 : memref<1x112xi32, #tpu.memory_space<vmem>> -> memref<112xi32, #tpu.memory_space<vmem>>
      %dma_start3A_84 = arith.constant 0 : i32
      %dma_start3A_85 = arith.constant 0 : i32
      %dma_start3A_86 = tpu.memref_slice %arg3[%dma_start3A_84, %dma_start3A_85] : memref<100000x384xf32, #tpu.memory_space<hbm>> -> memref<100000x384xf32, #tpu.memory_space<hbm>>
      tpu.enqueue_indirect_dma source(%dma_start3A_86 : memref<100000x384xf32, #tpu.memory_space<hbm>>) target(%arg6 : memref<112x384xf32, #tpu.memory_space<vmem>>) offsets(%dma_start3A_83 : memref<112xi32, #tpu.memory_space<vmem>>) semaphore(%arg8 : memref<!tpu.dma_semaphore, #tpu.memory_space<semaphore_mem>>)
      %mul3A_87 = arith.constant 2 : i32
      %mul3A_88 = arith.muli %mul3A_87, %scan3A_32 : i32
      %add3A_89 = arith.constant 1 : i32
      %add3A_90 = arith.addi %mul3A_88, %add3A_89 : i32
      %mul3A_91 = arith.constant 112 : i32
      %mul3A_92 = arith.muli %add3A_90, %mul3A_91 : i32
      %add3A_93 = arith.addi %mul3A_2, %mul3A_92 : i32
      %dma_wait3A_94 = arith.constant 0 : i32
      %dma_wait3A_95 = tpu.memref_slice %arg4[%add3A_93, %dma_wait3A_94] : memref<229376x384xf32, #tpu.memory_space<hbm>> -> memref<112x384xf32, #tpu.memory_space<hbm>>
      %dma_wait3A_96 = arith.constant 0 : i32
      %dma_wait3A_97 = tpu.memref_slice %arg4[%add3A_93, %dma_wait3A_96] : memref<229376x384xf32, #tpu.memory_space<hbm>> -> memref<112x384xf32, #tpu.memory_space<hbm>>
      tpu.wait_dma2 semaphore(%arg11 : memref<!tpu.dma_semaphore, #tpu.memory_space<semaphore_mem>>) src(%arg7 : memref<112x384xf32, #tpu.memory_space<vmem>>) dst(%dma_wait3A_97 : memref<112x384xf32, #tpu.memory_space<hbm>>)
      %add3A_98 = arith.constant 2 : i32
      %add3A_99 = arith.addi %add3A_90, %add3A_98 : i32
      %min3A_100 = arith.constant 63 : i32
      %min3A_101 = arith.minsi %add3A_99, %min3A_100 : i32
      %dma_start3A_102 = arith.constant 0 : i32
      %dma_start3A_103 = tpu.memref_slice %arg5[%min3A_101, %dma_start3A_102] : memref<64x112xi32, #tpu.memory_space<vmem>> -> memref<1x112xi32, #tpu.memory_space<vmem>>
      %dma_start3A_104 = tpu.memref_squeeze %dma_start3A_103 : memref<1x112xi32, #tpu.memory_space<vmem>> -> memref<112xi32, #tpu.memory_space<vmem>>
      %dma_start3A_105 = arith.constant 0 : i32
      %dma_start3A_106 = arith.constant 0 : i32
      %dma_start3A_107 = tpu.memref_slice %arg3[%dma_start3A_105, %dma_start3A_106] : memref<100000x384xf32, #tpu.memory_space<hbm>> -> memref<100000x384xf32, #tpu.memory_space<hbm>>
      tpu.enqueue_indirect_dma source(%dma_start3A_107 : memref<100000x384xf32, #tpu.memory_space<hbm>>) target(%arg7 : memref<112x384xf32, #tpu.memory_space<vmem>>) offsets(%dma_start3A_104 : memref<112xi32, #tpu.memory_space<vmem>>) semaphore(%arg9 : memref<!tpu.dma_semaphore, #tpu.memory_space<semaphore_mem>>)
    }
    %scan3A_20 = arith.constant 32 : i32
    %dma_wait3A = arith.constant 0 : i32
    %dma_wait3A_21 = arith.constant 0 : i32
    %dma_wait3A_22 = tpu.memref_slice %arg3[%dma_wait3A, %dma_wait3A_21] : memref<100000x384xf32, #tpu.memory_space<hbm>> -> memref<112x384xf32, #tpu.memory_space<hbm>>
    %dma_wait3A_23 = arith.constant 0 : i32
    %dma_wait3A_24 = arith.constant 0 : i32
    %dma_wait3A_25 = tpu.memref_slice %arg3[%dma_wait3A_23, %dma_wait3A_24] : memref<100000x384xf32, #tpu.memory_space<hbm>> -> memref<112x384xf32, #tpu.memory_space<hbm>>
    tpu.wait_dma2 semaphore(%arg8 : memref<!tpu.dma_semaphore, #tpu.memory_space<semaphore_mem>>) src(%dma_wait3A_25 : memref<112x384xf32, #tpu.memory_space<hbm>>) dst(%arg6 : memref<112x384xf32, #tpu.memory_space<vmem>>)
    %dma_wait3A_26 = arith.constant 0 : i32
    %dma_wait3A_27 = arith.constant 0 : i32
    %dma_wait3A_28 = tpu.memref_slice %arg3[%dma_wait3A_26, %dma_wait3A_27] : memref<100000x384xf32, #tpu.memory_space<hbm>> -> memref<112x384xf32, #tpu.memory_space<hbm>>
    %dma_wait3A_29 = arith.constant 0 : i32
    %dma_wait3A_30 = arith.constant 0 : i32
    %dma_wait3A_31 = tpu.memref_slice %arg3[%dma_wait3A_29, %dma_wait3A_30] : memref<100000x384xf32, #tpu.memory_space<hbm>> -> memref<112x384xf32, #tpu.memory_space<hbm>>
    tpu.wait_dma2 semaphore(%arg9 : memref<!tpu.dma_semaphore, #tpu.memory_space<semaphore_mem>>) src(%dma_wait3A_31 : memref<112x384xf32, #tpu.memory_space<hbm>>) dst(%arg7 : memref<112x384xf32, #tpu.memory_space<vmem>>)
    return
  }
}

module attributes {stable_mosaic.version = 14 : i64} {
  func.func @_transpose_pad_body(%arg0: i32, %arg1: memref<300x1024xf32, #tpu.memory_space<vmem>>, %arg2: memref<1024x384xf32, #tpu.memory_space<vmem>>) attributes {dimension_semantics = [#tpu.dimension_semantics<arbitrary>], iteration_bounds = array<i64: 98>, scalar_prefetch = 0 : i64, scratch_operands = 0 : i64, tpu.core_type = #tpu.core_type<tc>, window_params = [{transform_indices = @transform_0, window_bounds = array<i64: 300, 1024>}, {transform_indices = @transform_1, window_bounds = array<i64: 1024, 384>}]} {
    %get3A = arith.constant 0 : index
    %get3A_0 = arith.constant 0 : index
    %get3A_1 = vector.load %arg1[%get3A, %get3A_0] : memref<300x1024xf32, #tpu.memory_space<vmem>>, vector<300x1024xf32>
    %transpose3A = tpu.transpose %get3A_1, [1, 0] : vector<300x1024xf32> -> vector<1024x300xf32>
    %broadcast_in_dim3A = arith.constant 0.000000e+00 : f32
    %broadcast_in_dim3A_2 = vector.broadcast %broadcast_in_dim3A : f32 to vector<1024x84xf32>
    %concatenate3A = tpu.concatenate %transpose3A, %broadcast_in_dim3A_2 in 1 : vector<1024x300xf32>, vector<1024x84xf32> -> vector<1024x384xf32>
    %swap3A = arith.constant 0 : index
    %swap3A_3 = arith.constant 0 : index
    %swap3A_4 = vector.load %arg2[%swap3A, %swap3A_3] : memref<1024x384xf32, #tpu.memory_space<vmem>>, vector<1024x384xf32>
    tpu.vector_store %arg2[%swap3A, %swap3A_3], %concatenate3A {strides = array<i32>} : memref<1024x384xf32, #tpu.memory_space<vmem>>, vector<1024x384xf32>,
    return
  }
  func.func @transform_0(%arg0: i32) -> (i32, i32) {
    %c0_i32 = arith.constant 0 : i32
    %c0_i32_0 = arith.constant 0 : i32
    return %c0_i32, %arg0 : i32, i32
  }
  func.func @transform_1(%arg0: i32) -> (i32, i32) {
    %c0_i32 = arith.constant 0 : i32
    %c0_i32_0 = arith.constant 0 : i32
    return %arg0, %c0_i32 : i32, i32
  }
}

</mosaic_0001>

<sc_bundles>
// kernel: kernel.4.cloned.1.call-start
scs
__scs_entry_jumppad:
0x0: {  	(pc) =	sbr.rel $0x88, $3  }
0x1: {  	(tag) =	ssettag $0x0;
	lr =	simm.s32 $0x1  }
0x2: {  	[smem:$0x3F9F] =	sst lr;
	_ =	strace $0xD0000000  }
0x3: {  	_ = 	snop  }
0x4: {  	_ = 	snop  }
0x5: {  	_ = 	snop  }
0x6: {  	_ = 	snop  }
0x7: {  	_ = 	snop  }
__scs_overlays_trampoline_lowered:
0x8: {  	[smem:$0x3FAE] =	sst s0  }
0x9: {  	[smem:$0x3FAF] =	sst s1  }
0xa: {  	[smem:$0x3FB0] =	sst s2  }
0xb: {  	[smem:$0x3FB1] =	sst s3  }
0xc: {  	[smem:$0x3FB2] =	sst s4  }
0xd: {  	[smem:$0x3FB3] =	sst s5  }
0xe: {  	[smem:$0x3FB4] =	sst s6  }
0xf: {  	[smem:$0x3FB5] =	sst s7  }
0x10: {  	[smem:$0x3FB6] =	sst s8  }
0x11: {  	[smem:$0x3FB7] =	sst s9;
	s0 =	simm.s32 @!p0 $0x0  }
0x12: {  	s1 =	sld [smem:$0x3F9D];
	s0 =	simm.s32 @p0 $0x1  }
0x13: {  	[smem:$0x3FB8] =	sst s0;
	s0 =	simm.s32 @!p1 $0x0  }
0x14: {  	s2 =	sld [smem:$0x3F9C];
	s0 =	simm.s32 @p1 $0x1  }
0x15: {  	[smem:$0x3FB9] =	sst s0;
	s0 =	simm.s32 @!p2 $0x0  }
0x16: {  	s3 =	sld [smem:$0x3FDB];
	s0 =	simm.s32 @p2 $0x1  }
0x17: {  	s4 =	simm.s32 $0x1BF5;
	[smem:$0x3FBB] =	sst s0  }
0x18: {  	s0 =	sld [smem:$0x3F9E];
	_ =	swait.ge [sflag:s4], $0x0  }
0x19: {  	s7 =	sld [smem:$0x3F9F]  }
0x1a: {  	s8 =	sadd.s32 $0xFFFFE003, lr  }
0x1b: {  	s9 =	sadd.s32 $0xFFFFFEF7, lr;
	s5 =	simm.s32 $0xFFFFFFFF;
	p2 =	slt.u32 s8, $0xFFFFF086  }
0x1c: {  	p1 =	slt.u32 s9, $0xF7A;
	s5 =	simm.s32 @!p2 $0x0  }
0x1d: {  	s5 =	simm.s32 @p1 $0x1;
	p0 =	seq.s32 s7, s2  }
0x1e: {  	s7 =	smul.u32 @!p0 $0xF7A, s2;
	p2 =	seq.s32 @!p0 s5, $0x0  }
0x1f: {  	s9 =	smul.u32 $0xF7A, s1;
	s8 =	simm.s32 @!p0 $0x1BF5;
	p2 =	por !p2, p0  }
0x20: {  	[sflag:s8] =	ssyncset.s32 @!p0 $0xFFFFF086;
	s6 =	sadd.s32 @!p0 s3, s7;
	s7 =	simm.s32 @!p0 $0x108  }
0x21: {  	s3 =	sadd.s32 s3, s9;
	s6 =	sadd.s32 @!p0 $0x88, s6;
	s7 =	simm.s32 @p2 $0x1082  }
0x22: {  	[simem:s7], [sflag:s8] =	dma.local @!p0 [hbm:s6], $0xF7A  }
0x23: {  	s9 =	sor.u32 $0xD0000000, s2;
	s6 =	simm.s32 $0x108;
	_ =	swait.ge @!p0 [sflag:s8], $0x0  }
0x24: {  	s3 =	sadd.s32 $0x88, s3;
	s6 =	simm.s32 @!p1 $0x1082;
	[sflag:s4] =	ssyncset.s32 $0xFFFFF086  }
0x25: {  	[simem:s6], [sflag:s4] =	dma.local [hbm:s3], $0xF7A  }
0x26: {  	[smem:$0x3F9F] =	sst s1;
	(tag) =	ssettag s2;
	_ =	strace s9  }
0x27: {  	s1 =	sld [smem:$0x3FAF]  }
0x28: {  	s2 =	sld [smem:$0x3FB0]  }
0x29: {  	s4 =	sld [smem:$0x3FB2]  }
0x2a: {  	p0 =	seq.s32 s5, $0x0;
	s5 =	sld [smem:$0x3FB3]  }
0x2b: {  	s6 =	sld [smem:$0x3FB4]  }
0x2c: {  	s7 =	sld [smem:$0x3FB5]  }
0x2d: {  	s3 =	simm.s32 $0x108;
	s8 =	sld [smem:$0x3FB6]  }
0x2e: {  	s3 =	simm.s32 @!p0 $0x1082;
	s9 =	sld [smem:$0x3FB7]  }
0x2f: {  	lr =	sadd.s32 s0, s3;
	s0 =	sld [smem:$0x3FAE]  }
0x30: {  	s3 =	sld [smem:$0x3FB1]  }
0x31: {  	[smem:$0x3FBA] =	sst s10  }
0x32: {  	s10 =	sld [smem:$0x3FB8];
	_ =	sdelay $0x3  }
0x33: {  	p0 =	seq.s32 s10, $0x1;
	s10 =	sld [smem:$0x3FBA];
	_ =	sdelay $0x3  }
0x34: {  	[smem:$0x3FBA] =	sst s10  }
0x35: {  	s10 =	sld [smem:$0x3FB9];
	_ =	sdelay $0x3  }
0x36: {  	p1 =	seq.s32 s10, $0x1;
	s10 =	sld [smem:$0x3FBA];
	_ =	sdelay $0x3  }
0x37: {  	[smem:$0x3FBA] =	sst s10  }
0x38: {  	s10 =	sld [smem:$0x3FBB]  }
0x39: {  	_ = 	snop;
	(pc) =	sbr.ind lr, $3  }
0x3a: {  	_ = 	snop  }
0x3b: {  	_ = 	snop  }
0x3c: {  	p2 =	seq.s32 s10, $0x1;
	s10 =	sld [smem:$0x3FBA]  }
0x3d: {  	_ =	shalt  }
0x3e: {  	_ =	shalt  }
0x3f: {  	_ =	shalt  }
0x40: {  	_ =	shalt  }
0x41: {  	_ =	shalt  }
0x42: {  	_ =	shalt  }
0x43: {  	_ =	shalt  }
0x44: {  	_ =	shalt  }
0x45: {  	_ =	shalt  }
0x46: {  	_ =	shalt  }
0x47: {  	_ =	shalt  }
0x48: {  	_ =	shalt  }
0x49: {  	_ =	shalt  }
0x4a: {  	_ =	shalt  }
0x4b: {  	_ =	shalt  }
0x4c: {  	_ =	shalt  }
0x4d: {  	_ =	shalt  }
0x4e: {  	_ =	shalt  }
0x4f: {  	_ =	shalt  }
0x50: {  	_ =	shalt  }
0x51: {  	_ =	shalt  }
0x52: {  	_ =	shalt  }
0x53: {  	_ =	shalt  }
0x54: {  	_ =	shalt  }
0x55: {  	_ =	shalt  }
0x56: {  	_ =	shalt  }
0x57: {  	_ =	shalt  }
0x58: {  	_ =	shalt  }
0x59: {  	_ =	shalt  }
0x5a: {  	_ =	shalt  }
0x5b: {  	_ =	shalt  }
0x5c: {  	_ =	shalt  }
0x5d: {  	_ =	shalt  }
0x5e: {  	_ =	shalt  }
0x5f: {  	_ =	shalt  }
0x60: {  	_ =	shalt  }
0x61: {  	_ =	shalt  }
0x62: {  	_ =	shalt  }
0x63: {  	_ =	shalt  }
0x64: {  	_ =	shalt  }
0x65: {  	_ =	shalt  }
0x66: {  	_ =	shalt  }
0x67: {  	_ =	shalt  }
0x68: {  	_ =	shalt  }
0x69: {  	_ =	shalt  }
0x6a: {  	_ =	shalt  }
0x6b: {  	_ =	shalt  }
0x6c: {  	_ =	shalt  }
0x6d: {  	_ =	shalt  }
0x6e: {  	_ =	shalt  }
0x6f: {  	_ =	shalt  }
0x70: {  	_ =	shalt  }
0x71: {  	_ =	shalt  }
0x72: {  	_ =	shalt  }
0x73: {  	_ =	shalt  }
0x74: {  	_ =	shalt  }
0x75: {  	_ =	shalt  }
0x76: {  	_ =	shalt  }
0x77: {  	_ =	shalt  }
0x78: {  	_ =	shalt  }
0x79: {  	_ =	shalt  }
0x7a: {  	_ =	shalt  }
0x7b: {  	_ =	shalt  }
0x7c: {  	_ =	shalt  }
0x7d: {  	_ =	shalt  }
0x7e: {  	_ =	shalt  }
0x7f: {  	_ =	shalt  }
0x80: {  	_ =	shalt  }
0x81: {  	_ =	shalt  }
0x82: {  	_ =	shalt  }
0x83: {  	_ =	shalt  }
0x84: {  	_ =	shalt  }
0x85: {  	_ =	shalt  }
0x86: {  	_ =	shalt  }
0x87: {  	_ =	shalt  }
.Lfunc_end0:
.L_simem_size_0:
called_computation.1_lowered:
.L_overlay_start_0:
0x88: {  	s2 =	sld [smem:$0x3FD9]  }
0x89: {  	s3 =	sld [smem:$0x3FFE];
	_ =	sdelay $0x1  }
0x8a: {  	s1 =	srdreg.scid  }
0x8b: {  	s0 =	sand.u32 $0x1, s1  }
0x8c: {  	s17 =	sshll.u32 s0, $0xA;
	s2 =	sadd.s32 s3, s2  }
0x8d: {  	s2 =	sadd.s32 s2, s17  }
0x8e: {  	[smem:$0x3FC6] =	sst s2  }
0x8f: {  	_ = 	snop  }
0x90: {  	s2 =	sld [smem:$0x3FD0];
	(tm) =	ssettm $0x1  }
0x91: {  	s18 =	sld [smem:$0x3FFB];
	_ =	sdelay $0x3  }
0x92: {  	_ =	strace s18  }
0x93: {  	s3 =	sld [smem:$0x3FFC];
	_ =	sdelay $0x3  }
0x94: {  	_ =	strace s3  }
0x95: {  	s3 =	sld [smem:$0x3FFD];
	_ =	sdelay $0x3  }
0x96: {  	_ =	strace s3  }
0x97: {  	_ =	strace $0x8FFFFFFF  }
0x98: {  	s19 =	sld [smem:$0x3FDB];
	_ =	sdelay $0x1  }
0x99: {  	s4 =	simm.s32 $_scs_section_size  }
0x9a: {  	s5 =	simm.s32 $_size__tile_overlayer_lowered;
	s6 =	simm.s32 $_tile_overlayer_lowered  }
0x9b: {  	s22 =	simm.s32 $0x1BFF;
	s21 =	sshll.u32 s6, $0x1;
	s3 =	sadd.s32 s4, s19  }
0x9c: {  	s7 =	simm.s32 $0x0;
	s20 =	sshll.u32 s5, $0x1;
	s5 =	sadd.s32 s21, s3  }
0x9d: {  	[timem:s7], [sflag:s22] =	dma.local [hbm:s5], s20  }
0x9e: {  	_ =	swait.ge [sflag:s22], s20  }
0x9f: {  	s4 =	ssub.s32 $0x0, s20;
	[sflag:s22] =	ssyncset.done $0x0  }
0xa0: {  	[sflag:s22] =	ssyncadd.s32 s4;
	_ =	sdelay $0x1  }
0xa1: {  	s23 =	simm.s32 $0x1B8B  }
0xa2: {  	_ =	swait.ge [sflag:s23], $0x1  }
0xa3: {  	[sflag:s23] =	ssyncset.done $0x0  }
0xa4: {  	s25 =	simm.s32 $0x1B8E;
	s24 =	sld [smem:$0x3FFE];
	[sflag:s23] =	ssyncadd.s32 $0xFFFFFFFF  }
0xa5: {  	s26 =	simm.s32 $execute0_lowered;
	[smem:$0x3FD2] =	sst s25  }
0xa6: {  	s5 =	sshll.u32 s26, $0x1;
	_ =	strace $0x80000046;
	[dreg:$0x1] =	wrdreg $0xFFFFFFFF  }
0xa7: {  	s28 =	simm.s32 $_size_execute0_lowered;
	s3 =	sadd.s32 s3, s5;
	[dreg:$0x0] =	wrdreg $0x0  }
0xa8: {  	s5 =	sshll.u32 s28, $0x1;
	[dreg:$0x2] =	wrdreg s3  }
0xa9: {  	[dreg:$0x3] =	wrdreg s5  }
0xaa: {  	[dreg:$0x4] =	wrdreg $0xC0  }
0xab: {  	_ =	task [dreg:s7], $0x5FFFF  }
0xac: {  	[dreg:$0x1] =	wrdreg $0xFFFFFFFF  }
0xad: {  	[dreg:$0x0] =	wrdreg $0x60  }
0xae: {  	[dreg:$0x2] =	wrdreg s24  }
0xaf: {  	[dreg:$0x3] =	wrdreg s2  }
0xb0: {  	[dreg:$0x4] =	wrdreg $0x9  }
0xb1: {  	_ =	task.clear_ibuf [dreg:s7], $0x5FFFF;
	_ =	strace $0x90000046  }
0xb2: {  	s29 =	simm.s32 $0x9;
	_ =	strace $0x80000048  }
0xb3: {  	_ =	swait.ge [sflag:s29], $0x1  }
0xb4: {  	[sflag:s29] =	ssyncadd.s32 $0xFFFFFFFF  }
0xb5: {  	_ =	strace $0x90000048  }
0xb6: {  	_ =	sfence  }
0xb7: {  	s30 =	sld [smem:$0x0];
	_ =	sdelay $0x2  }
0xb8: {  	s31 =	sshll.u32 s1, $0xD;
	s1 =	sshrl.u32 s1, $0x2  }
0xb9: {  	s3 =	sand.u32 $0x4000, s31;
	s1 =	sadd.s32 s1, s30  }
0xba: {  	s0 =	sor.u32 s3, s0;
	s1 =	sshll.u32 s1, $0x11  }
0xbb: {  	s0 =	sor.u32 s1, s0  }
0xbc: {  	s0 =	sadd.s32 $0x8F2B, s0  }
0xbd: {  	[sflag:s0] =	ssyncadd.remote.s32 $0x1  }
0xbe: {  	_ =	sfence.sel $0xFFFF  }
0xbf: {  	[dreg:$0x0] =	wrdreg $0xFFFFFFFF;
	(pc) =	sbr.abs _section_cstart, $3  }
0xc0: {  	[dreg:$0x1] =	wrdreg $0xFFFFFFFF  }
0xc1: {  	_ =	task.clear_ibuf [dreg:s7], $0x2FFFF;
	_ =	strace $0x9FFFFFFF  }
0xc2: {  	(tm) =	ssettm $0x7FFFFFFF  }
0xc3: {  	_ =	shalt  }
tec
execute0_lowered:
.L_overlay_start_1:
0x0: {  	(tag) =	ssettag $0x1  }
0x1: {  	s0 =	rddreg [dreg:$0x0];
	s1 =	srdreg.scid  }
0x2: {  	s6 =	stileid.u32;
	s2 =	rddreg [dreg:$0x1];
	s3 =	simm.s32 $0x0  }
0x3: {  	s11 =	simm.s32 $0x2000;
	s18 =	simm.s32 $0x2800;
	s19 =	simm.s32 $0x2C00  }
0x4: {  	s20 =	simm.s32 $0x3400;
	s21 =	simm.s32 $0x3800;
	s22 =	simm.s32 $0x4000  }
0x5: {  	s28 =	simm.s32 $0x5C00;
	s8 =	simm.s32 $0x8000;
	s9 =	simm.s32 $0x8800  }
0x6: {  	s12 =	simm.s32 $0x8C00;
	s10 =	simm.s32 $0x9400;
	s29 =	simm.s32 $0x9800  }
0x7: {  	s30 =	simm.s32 $0xA000;
	s31 =	simm.s32 $0xA400;
	s13 =	simm.s32 $0x1  }
0x8: {  	s14 =	simm.s32 $0x2;
	s15 =	simm.s32 $0x3;
	s16 =	simm.s32 $0x4  }
0x9: {  	s17 =	simm.s32 $0x0;
	s1 =	sand.u32 $0x1, s1;
	s4 =	smul.u32 $0x3800, s6  }
0xa: {  	s6 =	sshll.u32 s6, $0xB;
	[smem:$0x7FF] =	sst s3;
	s5 =	smul.u32 $0x1C00, s1  }
0xb: {  	s7 =	sshll.u32 s1, $0xA;
	_ =	strace $0x80000047;
	s1 =	ssub.s32 $0x2, s1  }
0xc: {  	[dreg:$0x7] =	wrdreg s17;
	s6 =	sor.u32 s7, s6;
	s25 =	sshrl.u32 s1, $0x1  }
0xd: {  	s7 =	simm.s32 $0x7C00;
	s4 =	sadd.s32 s5, s4;
	s23 =	sadd.s32 s6, s0  }
0xe: {  	s0 =	sadd.s32 $0x8800, s0;
	s1 =	ssub.s32 s1, s25;
	s25 =	simm.s32 $0x5000  }
0xf: {  	s24 =	sor.u32 $0x70, s4;
	s4 =	sshrl.u32 s4, $0x3;
	s5 =	sadd.s32 $0x800, s23  }
0x10: {  	s1 =	smax.u32 s1, $0x1;
	s6 =	sshrl.u32 s24, $0x3;
	s4 =	smul.u32 $0x180, s4  }
0x11: {  	s23 =	simm.s32 $0x4400;
	[dreg:$0x3] =	wrdreg s5;
	s6 =	smul.u32 $0x180, s6  }
0x12: {  	s5 =	sadd.s32 $0x100, s2;
	[dreg:$0x4] =	wrdreg s1;
	s24 =	simm.s32 $0x4C00  }
0x13: {  	v2 =	vlaneseq.u32;
	s1 =	simm.s32 $0x6400;
	s26 =	sadd.s32 s6, s0;
	s0 =	sadd.s32 s4, s0  }
0x14: {  	vm0 =	vmmov $0xffff;
	vm1 =	vmmov $0xff;
	v1 =	vshrl.u32 v2, $0x3;
	s4 =	simm.s32 $0x7000;
	s6 =	simm.s32 $0x7400;
	[dreg:$0x5] =	wrdreg s26  }
0x15: {  	v0 =	vand.u32 $0x7, v2;
	v2 =	vor.u32 $0x8, v2;
	v1 =	vmul.u32 $0x8, v1;
	[dreg:$0x6] =	wrdreg s0;
	s26 =	simm.s32 $0x5800;
	s0 =	simm.s32 $0x6800  }
.LBB2_1:
0x16: {  	s17 =	rddreg [dreg:$0x3]  }
0x17: {  	[tilespmem:s3], [sflag:$0x5] =	stream.linear.gather [hbm4b:s17+s3], $0x2000, $0x38;
	[tilespmem:$0x17000] =	vst v63  }
0x18: {  	s17 =	simm.s32 $0x5  }
0x19: {  	_ =	swait.ge [sflag:s17], $0x2000  }
0x1a: {  	[sflag:s17] =	ssyncset.done $0x0  }
0x1b: {  	[sflag:s17] =	ssyncadd.s32 $0xFFFFE000  }
0x1c: {  	v3 =	vld [tilespmem:$0x0];
	_ =	sdelay $0x4  }
0x1d: {  	v4 =	vshrl.u32 v3, $0x3  }
0x1e: {  	v4 =	vmul.u32 $0x18, v4  }
0x1f: {  	v3 =	vand.u32 $0x7, v3  }
0x20: {  	v3 =	vor.u32 v3, v4  }
0x21: {  	v4 =	vperm.xlane v3, v0;
	_ =	sdelay $0x1  }
0x22: {  	v4 =	vadd.s32 v1, v4;
	_ =	sdelay $0x1  }
0x23: {  	v3 =	vperm.xlane v3, v2;
	_ =	sdelay $0x1  }
0x24: {  	v3 =	vadd.s32 v1, v3  }
0x25: {  	[tilespmem:s11], [sflag:$0x1] =	stream.indirect_vreg.gather [hbm4b:s2+s3], $0x80, v4, vm0, $0xb8;
	[tilespmem:$0x17000] =	vst v63  }
0x26: {  	_ = 	snop  }
0x27: {  	[tilespmem:s18], [sflag:$0x1] =	stream.indirect_vreg.gather [hbm4b:s5+s3], $0x80, v4, vm1, $0xb8;
	[tilespmem:$0x17000] =	vst v63  }
0x28: {  	_ = 	snop  }
0x29: {  	[tilespmem:s19], [sflag:$0x1] =	stream.indirect_vreg.gather [hbm4b:s2+s3], $0x80, v3, vm0, $0xb8;
	[tilespmem:$0x17000] =	vst v63  }
0x2a: {  	_ = 	snop  }
0x2b: {  	[tilespmem:s20], [sflag:$0x1] =	stream.indirect_vreg.gather [hbm4b:s5+s3], $0x80, v3, vm1, $0xb8;
	[tilespmem:$0x17000] =	vst v63  }
0x2c: {  	v3 =	vld [tilespmem:$0x10];
	_ =	sdelay $0x4  }
0x2d: {  	v51 =	vshrl.u32 v3, $0x3  }
0x2e: {  	v4 =	vmul.u32 $0x18, v51  }
0x2f: {  	v3 =	vand.u32 $0x7, v3  }
0x30: {  	v3 =	vor.u32 v3, v4  }
0x31: {  	v4 =	vperm.xlane v3, v0;
	_ =	sdelay $0x1  }
0x32: {  	v4 =	vadd.s32 v1, v4;
	_ =	sdelay $0x1  }
0x33: {  	v3 =	vperm.xlane v3, v2;
	_ =	sdelay $0x1  }
0x34: {  	v3 =	vadd.s32 v1, v3  }
0x35: {  	[tilespmem:s21], [sflag:$0x1] =	stream.indirect_vreg.gather [hbm4b:s2+s3], $0x80, v4, vm0, $0xb8;
	[tilespmem:$0x17000] =	vst v63  }
0x36: {  	_ = 	snop  }
0x37: {  	[tilespmem:s22], [sflag:$0x1] =	stream.indirect_vreg.gather [hbm4b:s5+s3], $0x80, v4, vm1, $0xb8;
	[tilespmem:$0x17000] =	vst v63  }
0x38: {  	_ = 	snop  }
0x39: {  	[tilespmem:s23], [sflag:$0x1] =	stream.indirect_vreg.gather [hbm4b:s2+s3], $0x80, v3, vm0, $0xb8;
	[tilespmem:$0x17000] =	vst v63  }
0x3a: {  	_ = 	snop  }
0x3b: {  	[tilespmem:s24], [sflag:$0x1] =	stream.indirect_vreg.gather [hbm4b:s5+s3], $0x80, v3, vm1, $0xb8;
	[tilespmem:$0x17000] =	vst v63  }
0x3c: {  	v3 =	vld [tilespmem:$0x20];
	_ =	sdelay $0x4  }
0x3d: {  	v52 =	vshrl.u32 v3, $0x3  }
0x3e: {  	v4 =	vmul.u32 $0x18, v52  }
0x3f: {  	v3 =	vand.u32 $0x7, v3  }
0x40: {  	v3 =	vor.u32 v3, v4  }
0x41: {  	v4 =	vperm.xlane v3, v0;
	_ =	sdelay $0x1  }
0x42: {  	v4 =	vadd.s32 v1, v4;
	_ =	sdelay $0x1  }
0x43: {  	v3 =	vperm.xlane v3, v2;
	_ =	sdelay $0x1  }
0x44: {  	v3 =	vadd.s32 v1, v3  }
0x45: {  	[tilespmem:s25], [sflag:$0x1] =	stream.indirect_vreg.gather [hbm4b:s2+s3], $0x80, v4, vm0, $0xb8;
	[tilespmem:$0x17000] =	vst v63  }
0x46: {  	_ = 	snop  }
0x47: {  	[tilespmem:s26], [sflag:$0x1] =	stream.indirect_vreg.gather [hbm4b:s5+s3], $0x80, v4, vm1, $0xb8;
	[tilespmem:$0x17000] =	vst v63  }
0x48: {  	_ = 	snop  }
0x49: {  	[tilespmem:s28], [sflag:$0x1] =	stream.indirect_vreg.gather [hbm4b:s2+s3], $0x80, v3, vm0, $0xb8;
	[tilespmem:$0x17000] =	vst v63  }
0x4a: {  	_ = 	snop  }
0x4b: {  	[tilespmem:s1], [sflag:$0x1] =	stream.indirect_vreg.gather [hbm4b:s5+s3], $0x80, v3, vm1, $0xb8;
	[tilespmem:$0x17000] =	vst v63  }
0x4c: {  	v3 =	vld [tilespmem:$0x30];
	_ =	sdelay $0x4  }
0x4d: {  	v53 =	vshrl.u32 v3, $0x3  }
0x4e: {  	v4 =	vmul.u32 $0x18, v53  }
0x4f: {  	v3 =	vand.u32 $0x7, v3  }
0x50: {  	v3 =	vor.u32 v3, v4  }
0x51: {  	v4 =	vperm.xlane v3, v0;
	_ =	sdelay $0x1  }
0x52: {  	v4 =	vadd.s32 v1, v4;
	_ =	sdelay $0x1  }
0x53: {  	v3 =	vperm.xlane v3, v2;
	_ =	sdelay $0x1  }
0x54: {  	v3 =	vadd.s32 v1, v3  }
0x55: {  	[tilespmem:s0], [sflag:$0x1] =	stream.indirect_vreg.gather [hbm4b:s2+s3], $0x80, v4, vm0, $0xb8;
	[tilespmem:$0x17000] =	vst v63  }
0x56: {  	_ = 	snop  }
0x57: {  	[tilespmem:s4], [sflag:$0x1] =	stream.indirect_vreg.gather [hbm4b:s5+s3], $0x80, v4, vm1, $0xb8;
	[tilespmem:$0x17000] =	vst v63  }
0x58: {  	_ = 	snop  }
0x59: {  	[tilespmem:s6], [sflag:$0x1] =	stream.indirect_vreg.gather [hbm4b:s2+s3], $0x80, v3, vm0, $0xb8;
	[tilespmem:$0x17000] =	vst v63  }
0x5a: {  	_ = 	snop  }
0x5b: {  	[tilespmem:s7], [sflag:$0x1] =	stream.indirect_vreg.gather [hbm4b:s5+s3], $0x80, v3, vm1, $0xb8;
	[tilespmem:$0x17000] =	vst v63  }
0x5c: {  	v3 =	vld [tilespmem:$0x40];
	_ =	sdelay $0x4  }
0x5d: {  	v54 =	vshrl.u32 v3, $0x3  }
0x5e: {  	v4 =	vmul.u32 $0x18, v54  }
0x5f: {  	v3 =	vand.u32 $0x7, v3  }
0x60: {  	v3 =	vor.u32 v3, v4  }
0x61: {  	v4 =	vperm.xlane v3, v0;
	_ =	sdelay $0x1  }
0x62: {  	v4 =	vadd.s32 v1, v4;
	_ =	sdelay $0x1  }
0x63: {  	v3 =	vperm.xlane v3, v2;
	_ =	sdelay $0x1  }
0x64: {  	v3 =	vadd.s32 v1, v3  }
0x65: {  	[tilespmem:s8], [sflag:$0x1] =	stream.indirect_vreg.gather [hbm4b:s2+s3], $0x80, v4, vm0, $0xb8;
	[tilespmem:$0x17000] =	vst v63  }
0x66: {  	_ = 	snop  }
0x67: {  	[tilespmem:s9], [sflag:$0x1] =	stream.indirect_vreg.gather [hbm4b:s5+s3], $0x80, v4, vm1, $0xb8;
	[tilespmem:$0x17000] =	vst v63  }
0x68: {  	_ = 	snop  }
0x69: {  	[tilespmem:s12], [sflag:$0x1] =	stream.indirect_vreg.gather [hbm4b:s2+s3], $0x80, v3, vm0, $0xb8;
	[tilespmem:$0x17000] =	vst v63  }
0x6a: {  	_ = 	snop  }
0x6b: {  	[tilespmem:s10], [sflag:$0x1] =	stream.indirect_vreg.gather [hbm4b:s5+s3], $0x80, v3, vm1, $0xb8;
	[tilespmem:$0x17000] =	vst v63  }
0x6c: {  	v3 =	vld [tilespmem:$0x50];
	_ =	sdelay $0x4  }
0x6d: {  	v55 =	vshrl.u32 v3, $0x3  }
0x6e: {  	v4 =	vmul.u32 $0x18, v55  }
0x6f: {  	v3 =	vand.u32 $0x7, v3  }
0x70: {  	v3 =	vor.u32 v3, v4  }
0x71: {  	v4 =	vperm.xlane v3, v0;
	_ =	sdelay $0x1  }
0x72: {  	v4 =	vadd.s32 v1, v4;
	_ =	sdelay $0x1  }
0x73: {  	v3 =	vperm.xlane v3, v2;
	_ =	sdelay $0x1  }
0x74: {  	v3 =	vadd.s32 v1, v3  }
0x75: {  	[tilespmem:s29], [sflag:$0x1] =	stream.indirect_vreg.gather [hbm4b:s2+s3], $0x80, v4, vm0, $0xb8;
	[tilespmem:$0x17000] =	vst v63  }
0x76: {  	_ = 	snop  }
0x77: {  	[tilespmem:s30], [sflag:$0x1] =	stream.indirect_vreg.gather [hbm4b:s5+s3], $0x80, v4, vm1, $0xb8;
	[tilespmem:$0x17000] =	vst v63  }
0x78: {  	_ = 	snop  }
0x79: {  	[tilespmem:s31], [sflag:$0x1] =	stream.indirect_vreg.gather [hbm4b:s2+s3], $0x80, v3, vm0, $0xb8;
	[tilespmem:$0x17000] =	vst v63  }
0x7a: {  	s18 =	simm.s32 $0xAC00  }
0x7b: {  	[tilespmem:s18], [sflag:$0x1] =	stream.indirect_vreg.gather [hbm4b:s5+s3], $0x80, v3, vm1, $0xb8;
	[tilespmem:$0x17000] =	vst v63  }
0x7c: {  	v3 =	vld [tilespmem:$0x60];
	_ =	sdelay $0x4  }
0x7d: {  	v56 =	vshrl.u32 v3, $0x3  }
0x7e: {  	v4 =	vmul.u32 $0x18, v56  }
0x7f: {  	v3 =	vand.u32 $0x7, v3  }
0x80: {  	v3 =	vor.u32 v3, v4  }
0x81: {  	v4 =	vperm.xlane v3, v0;
	_ =	sdelay $0x1  }
0x82: {  	v4 =	vadd.s32 v1, v4;
	_ =	sdelay $0x1  }
0x83: {  	v3 =	vperm.xlane v3, v2;
	_ =	sdelay $0x1  }
0x84: {  	s19 =	simm.s32 $0xB000;
	v3 =	vadd.s32 v1, v3  }
0x85: {  	[tilespmem:s19], [sflag:$0x1] =	stream.indirect_vreg.gather [hbm4b:s2+s3], $0x80, v4, vm0, $0xb8;
	[tilespmem:$0x17000] =	vst v63  }
0x86: {  	s20 =	simm.s32 $0xB800  }
0x87: {  	[tilespmem:s20], [sflag:$0x1] =	stream.indirect_vreg.gather [hbm4b:s5+s3], $0x80, v4, vm1, $0xb8;
	[tilespmem:$0x17000] =	vst v63  }
0x88: {  	s21 =	simm.s32 $0xBC00  }
0x89: {  	[tilespmem:s21], [sflag:$0x1] =	stream.indirect_vreg.gather [hbm4b:s2+s3], $0x80, v3, vm0, $0xb8;
	[tilespmem:$0x17000] =	vst v63  }
0x8a: {  	s22 =	simm.s32 $0xC400  }
0x8b: {  	[tilespmem:s22], [sflag:$0x1] =	stream.indirect_vreg.gather [hbm4b:s5+s3], $0x80, v3, vm1, $0xb8;
	[tilespmem:$0x17000] =	vst v63  }
0x8c: {  	v3 =	vld [tilespmem:$0x80];
	_ =	sdelay $0x4  }
0x8d: {  	v57 =	vshrl.u32 v3, $0x3  }
0x8e: {  	v4 =	vmul.u32 $0x18, v57  }
0x8f: {  	v3 =	vand.u32 $0x7, v3  }
0x90: {  	v3 =	vor.u32 v3, v4  }
0x91: {  	v4 =	vperm.xlane v3, v0;
	_ =	sdelay $0x1  }
0x92: {  	v4 =	vadd.s32 v1, v4;
	_ =	sdelay $0x1  }
0x93: {  	v3 =	vperm.xlane v3, v2;
	_ =	sdelay $0x1  }
0x94: {  	s28 =	simm.s32 $0xC800;
	v3 =	vadd.s32 v1, v3  }
0x95: {  	[tilespmem:s28], [sflag:$0x2] =	stream.indirect_vreg.gather [hbm4b:s2+s3], $0x80, v4, vm0, $0xb8;
	[tilespmem:$0x17000] =	vst v63  }
0x96: {  	s23 =	simm.s32 $0xD000  }
0x97: {  	[tilespmem:s23], [sflag:$0x2] =	stream.indirect_vreg.gather [hbm4b:s5+s3], $0x80, v4, vm1, $0xb8;
	[tilespmem:$0x17000] =	vst v63  }
0x98: {  	s24 =	simm.s32 $0xD400  }
0x99: {  	[tilespmem:s24], [sflag:$0x2] =	stream.indirect_vreg.gather [hbm4b:s2+s3], $0x80, v3, vm0, $0xb8;
	[tilespmem:$0x17000] =	vst v63  }
0x9a: {  	s25 =	simm.s32 $0xDC00  }
0x9b: {  	[tilespmem:s25], [sflag:$0x2] =	stream.indirect_vreg.gather [hbm4b:s5+s3], $0x80, v3, vm1, $0xb8;
	[tilespmem:$0x17000] =	vst v63  }
0x9c: {  	v3 =	vld [tilespmem:$0x90];
	_ =	sdelay $0x4  }
0x9d: {  	v58 =	vshrl.u32 v3, $0x3  }
0x9e: {  	v4 =	vmul.u32 $0x18, v58  }
0x9f: {  	v3 =	vand.u32 $0x7, v3  }
0xa0: {  	v3 =	vor.u32 v3, v4  }
0xa1: {  	v4 =	vperm.xlane v3, v0;
	_ =	sdelay $0x1  }
0xa2: {  	v4 =	vadd.s32 v1, v4;
	_ =	sdelay $0x1  }
0xa3: {  	v3 =	vperm.xlane v3, v2;
	_ =	sdelay $0x1  }
0xa4: {  	s26 =	simm.s32 $0xE000;
	v3 =	vadd.s32 v1, v3  }
0xa5: {  	[tilespmem:s26], [sflag:$0x2] =	stream.indirect_vreg.gather [hbm4b:s2+s3], $0x80, v4, vm0, $0xb8;
	[tilespmem:$0x17000] =	vst v63  }
0xa6: {  	s1 =	simm.s32 $0xE800  }
0xa7: {  	[tilespmem:s1], [sflag:$0x2] =	stream.indirect_vreg.gather [hbm4b:s5+s3], $0x80, v4, vm1, $0xb8;
	[tilespmem:$0x17000] =	vst v63  }
0xa8: {  	s4 =	simm.s32 $0xEC00  }
0xa9: {  	[tilespmem:s4], [sflag:$0x2] =	stream.indirect_vreg.gather [hbm4b:s2+s3], $0x80, v3, vm0, $0xb8;
	[tilespmem:$0x17000] =	vst v63  }
0xaa: {  	s6 =	simm.s32 $0xF400  }
0xab: {  	[tilespmem:s6], [sflag:$0x2] =	stream.indirect_vreg.gather [hbm4b:s5+s3], $0x80, v3, vm1, $0xb8;
	[tilespmem:$0x17000] =	vst v63  }
0xac: {  	v3 =	vld [tilespmem:$0xA0];
	_ =	sdelay $0x4  }
0xad: {  	v59 =	vshrl.u32 v3, $0x3  }
0xae: {  	v4 =	vmul.u32 $0x18, v59  }
0xaf: {  	v3 =	vand.u32 $0x7, v3  }
0xb0: {  	v3 =	vor.u32 v3, v4  }
0xb1: {  	v4 =	vperm.xlane v3, v0;
	_ =	sdelay $0x1  }
0xb2: {  	v4 =	vadd.s32 v1, v4;
	_ =	sdelay $0x1  }
0xb3: {  	v3 =	vperm.xlane v3, v2;
	_ =	sdelay $0x1  }
0xb4: {  	s7 =	simm.s32 $0xF800;
	v3 =	vadd.s32 v1, v3  }
0xb5: {  	[tilespmem:s7], [sflag:$0x2] =	stream.indirect_vreg.gather [hbm4b:s2+s3], $0x80, v4, vm0, $0xb8;
	[tilespmem:$0x17000] =	vst v63  }
0xb6: {  	s8 =	simm.s32 $0x10000  }
0xb7: {  	[tilespmem:s8], [sflag:$0x2] =	stream.indirect_vreg.gather [hbm4b:s5+s3], $0x80, v4, vm1, $0xb8;
	[tilespmem:$0x17000] =	vst v63  }
0xb8: {  	s9 =	simm.s32 $0x10400  }
0xb9: {  	[tilespmem:s9], [sflag:$0x2] =	stream.indirect_vreg.gather [hbm4b:s2+s3], $0x80, v3, vm0, $0xb8;
	[tilespmem:$0x17000] =	vst v63  }
0xba: {  	s10 =	simm.s32 $0x10C00  }
0xbb: {  	[tilespmem:s10], [sflag:$0x2] =	stream.indirect_vreg.gather [hbm4b:s5+s3], $0x80, v3, vm1, $0xb8;
	[tilespmem:$0x17000] =	vst v63  }
0xbc: {  	v3 =	vld [tilespmem:$0xB0];
	_ =	sdelay $0x4  }
0xbd: {  	v60 =	vshrl.u32 v3, $0x3  }
0xbe: {  	v4 =	vmul.u32 $0x18, v60  }
0xbf: {  	v3 =	vand.u32 $0x7, v3  }
0xc0: {  	v3 =	vor.u32 v3, v4  }
0xc1: {  	v4 =	vperm.xlane v3, v0;
	_ =	sdelay $0x1  }
0xc2: {  	v4 =	vadd.s32 v1, v4;
	_ =	sdelay $0x1  }
0xc3: {  	v3 =	vperm.xlane v3, v2;
	_ =	sdelay $0x1  }
0xc4: {  	s11 =	simm.s32 $0x11000;
	v3 =	vadd.s32 v1, v3  }
0xc5: {  	[tilespmem:s11], [sflag:$0x2] =	stream.indirect_vreg.gather [hbm4b:s2+s3], $0x80, v4, vm0, $0xb8;
	[tilespmem:$0x17000] =	vst v63  }
0xc6: {  	s12 =	simm.s32 $0x11800  }
0xc7: {  	[tilespmem:s12], [sflag:$0x2] =	stream.indirect_vreg.gather [hbm4b:s5+s3], $0x80, v4, vm1, $0xb8;
	[tilespmem:$0x17000] =	vst v63  }
0xc8: {  	s17 =	simm.s32 $0x11C00  }
0xc9: {  	[tilespmem:s17], [sflag:$0x2] =	stream.indirect_vreg.gather [hbm4b:s2+s3], $0x80, v3, vm0, $0xb8;
	[tilespmem:$0x17000] =	vst v63  }
0xca: {  	s18 =	simm.s32 $0x12400  }
0xcb: {  	[tilespmem:s18], [sflag:$0x2] =	stream.indirect_vreg.gather [hbm4b:s5+s3], $0x80, v3, vm1, $0xb8;
	[tilespmem:$0x17000] =	vst v63  }
0xcc: {  	v3 =	vld [tilespmem:$0xC0];
	_ =	sdelay $0x4  }
0xcd: {  	v61 =	vshrl.u32 v3, $0x3  }
0xce: {  	v4 =	vmul.u32 $0x18, v61  }
0xcf: {  	v3 =	vand.u32 $0x7, v3  }
0xd0: {  	v3 =	vor.u32 v3, v4  }
0xd1: {  	v4 =	vperm.xlane v3, v0;
	_ =	sdelay $0x1  }
0xd2: {  	v4 =	vadd.s32 v1, v4;
	_ =	sdelay $0x1  }
0xd3: {  	v3 =	vperm.xlane v3, v2;
	_ =	sdelay $0x1  }
0xd4: {  	s19 =	simm.s32 $0x12800;
	v3 =	vadd.s32 v1, v3  }
0xd5: {  	[tilespmem:s19], [sflag:$0x2] =	stream.indirect_vreg.gather [hbm4b:s2+s3], $0x80, v4, vm0, $0xb8;
	[tilespmem:$0x17000] =	vst v63  }
0xd6: {  	s20 =	simm.s32 $0x13000  }
0xd7: {  	[tilespmem:s20], [sflag:$0x2] =	stream.indirect_vreg.gather [hbm4b:s5+s3], $0x80, v4, vm1, $0xb8;
	[tilespmem:$0x17000] =	vst v63  }
0xd8: {  	s21 =	simm.s32 $0x13400  }
0xd9: {  	[tilespmem:s21], [sflag:$0x2] =	stream.indirect_vreg.gather [hbm4b:s2+s3], $0x80, v3, vm0, $0xb8;
	[tilespmem:$0x17000] =	vst v63  }
0xda: {  	s22 =	simm.s32 $0x13C00  }
0xdb: {  	[tilespmem:s22], [sflag:$0x2] =	stream.indirect_vreg.gather [hbm4b:s5+s3], $0x80, v3, vm1, $0xb8;
	[tilespmem:$0x17000] =	vst v63  }
0xdc: {  	v3 =	vld [tilespmem:$0xD0];
	_ =	sdelay $0x4  }
0xdd: {  	v62 =	vshrl.u32 v3, $0x3  }
0xde: {  	v4 =	vmul.u32 $0x18, v62  }
0xdf: {  	v3 =	vand.u32 $0x7, v3  }
0xe0: {  	v3 =	vor.u32 v3, v4  }
0xe1: {  	v4 =	vperm.xlane v3, v0;
	_ =	sdelay $0x1  }
0xe2: {  	v4 =	vadd.s32 v1, v4;
	_ =	sdelay $0x1  }
0xe3: {  	v3 =	vperm.xlane v3, v2;
	_ =	sdelay $0x1  }
0xe4: {  	s23 =	simm.s32 $0x14000;
	v3 =	vadd.s32 v1, v3  }
0xe5: {  	[tilespmem:s23], [sflag:$0x2] =	stream.indirect_vreg.gather [hbm4b:s2+s3], $0x80, v4, vm0, $0xb8;
	[tilespmem:$0x17000] =	vst v63  }
0xe6: {  	s24 =	simm.s32 $0x14800  }
0xe7: {  	[tilespmem:s24], [sflag:$0x2] =	stream.indirect_vreg.gather [hbm4b:s5+s3], $0x80, v4, vm1, $0xb8;
	[tilespmem:$0x17000] =	vst v63  }
0xe8: {  	s25 =	simm.s32 $0x14C00  }
0xe9: {  	[tilespmem:s25], [sflag:$0x2] =	stream.indirect_vreg.gather [hbm4b:s2+s3], $0x80, v3, vm0, $0xb8;
	[tilespmem:$0x17000] =	vst v63  }
0xea: {  	s26 =	simm.s32 $0x15400  }
0xeb: {  	[tilespmem:s26], [sflag:$0x2] =	stream.indirect_vreg.gather [hbm4b:s5+s3], $0x80, v3, vm1, $0xb8;
	[tilespmem:$0x17000] =	vst v63  }
0xec: {  	v3 =	vld [tilespmem:$0xE0];
	_ =	sdelay $0x4  }
0xed: {  	v63 =	vshrl.u32 v3, $0x3  }
0xee: {  	v4 =	vmul.u32 $0x18, v63  }
0xef: {  	v3 =	vand.u32 $0x7, v3  }
0xf0: {  	v3 =	vor.u32 v3, v4  }
0xf1: {  	v4 =	vperm.xlane v3, v0;
	_ =	sdelay $0x1  }
0xf2: {  	v4 =	vadd.s32 v1, v4  }
0xf3: {  	s0 =	simm.s32 $0x6800;
	s29 =	simm.s32 $0x16C00;
	s30 =	simm.s32 $0x5800  }
0xf4: {  	s31 =	simm.s32 $0xA000;
	s4 =	simm.s32 $0x7000;
	s6 =	simm.s32 $0x7400;
	v3 =	vperm.xlane v3, v2  }
0xf5: {  	s7 =	simm.s32 $0x7C00;
	s8 =	simm.s32 $0x8000;
	s9 =	simm.s32 $0x8800  }
0xf6: {  	s10 =	simm.s32 $0x9400;
	s11 =	simm.s32 $0x2000;
	s25 =	simm.s32 $0x15800;
	v3 =	vadd.s32 v1, v3  }
0xf7: {  	[tilespmem:s25], [sflag:$0x2] =	stream.indirect_vreg.gather [hbm4b:s2+s3], $0x80, v4, vm0, $0xb8;
	[tilespmem:$0x17000] =	vst v63  }
0xf8: {  	s12 =	simm.s32 $0x8C00;
	s17 =	rddreg [dreg:$0x6];
	s22 =	simm.s32 $0x16000  }
0xf9: {  	[tilespmem:s22], [sflag:$0x2] =	stream.indirect_vreg.gather [hbm4b:s5+s3], $0x80, v4, vm1, $0xb8;
	[tilespmem:$0x17000] =	vst v63  }
0xfa: {  	s18 =	rddreg [dreg:$0x5];
	s19 =	simm.s32 $0x0;
	s26 =	simm.s32 $0x16400  }
0xfb: {  	[tilespmem:s26], [sflag:$0x2] =	stream.indirect_vreg.gather [hbm4b:s2+s3], $0x80, v3, vm0, $0xb8;
	[tilespmem:$0x17000] =	vst v63  }
0xfc: {  	s21 =	simm.s32 $0xA400;
	s23 =	simm.s32 $0x3400;
	s24 =	simm.s32 $0x9800  }
0xfd: {  	[tilespmem:s29], [sflag:$0x2] =	stream.indirect_vreg.gather [hbm4b:s5+s3], $0x80, v3, vm1, $0xb8;
	[tilespmem:$0x17000] =	vst v63  }
.LBB2_2:
0xfe: {  	_ =	swait.ge [sflag:s13], $0xA800  }
0xff: {  	[sflag:s13] =	ssyncset.done $0x0  }
0x100: {  	[sflag:s13] =	ssyncadd.s32 $0xFFFF5800  }
0x101: {  	[hbm4b:s17+s3] =	stream.linear.scatter [tilespmem:s11], [sflag:$0x3], $0xA800, $0x38;
	[tilespmem:$0x17000] =	vst v63  }
0x102: {  	_ =	swait.ge [sflag:s14], $0xA800  }
0x103: {  	[sflag:s14] =	ssyncset.done $0x0  }
0x104: {  	[sflag:s14] =	ssyncadd.s32 $0xFFFF5800  }
0x105: {  	[hbm4b:s18+s3] =	stream.linear.scatter [tilespmem:s28], [sflag:$0x4], $0xA800, $0x38;
	[tilespmem:$0x17000] =	vst v63  }
0x106: {  	_ =	swait.ge [sflag:s15], $0xA800  }
0x107: {  	s20 =	smin.u32 s19, $0x3D;
	[sflag:s15] =	ssyncset.done $0x0  }
0x108: {  	s20 =	sshll.u32 s20, $0x7;
	[sflag:s15] =	ssyncadd.s32 $0xFFFF5800  }
0x109: {  	v3 =	vld [tilespmem:s20+$0x100];
	_ =	sdelay $0x4  }
0x10a: {  	v4 =	vshrl.u32 v3, $0x3  }
0x10b: {  	v4 =	vmul.u32 $0x18, v4  }
0x10c: {  	v3 =	vand.u32 $0x7, v3  }
0x10d: {  	v3 =	vor.u32 v3, v4  }
0x10e: {  	v4 =	vperm.xlane v3, v0;
	_ =	sdelay $0x1  }
0x10f: {  	v4 =	vadd.s32 v1, v4;
	_ =	sdelay $0x1  }
0x110: {  	v3 =	vperm.xlane v3, v2;
	_ =	sdelay $0x1  }
0x111: {  	v3 =	vadd.s32 v1, v3  }
0x112: {  	[tilespmem:s11], [sflag:$0x1] =	stream.indirect_vreg.gather [hbm4b:s2+s3], $0x80, v4, vm0, $0xb8;
	[tilespmem:$0x17000] =	vst v63  }
0x113: {  	s1 =	simm.s32 $0x2800  }
0x114: {  	[tilespmem:s1], [sflag:$0x1] =	stream.indirect_vreg.gather [hbm4b:s5+s3], $0x80, v4, vm1, $0xb8;
	[tilespmem:$0x17000] =	vst v63  }
0x115: {  	s1 =	simm.s32 $0x2C00  }
0x116: {  	[tilespmem:s1], [sflag:$0x1] =	stream.indirect_vreg.gather [hbm4b:s2+s3], $0x80, v3, vm0, $0xb8;
	[tilespmem:$0x17000] =	vst v63  }
0x117: {  	_ = 	snop  }
0x118: {  	[tilespmem:s23], [sflag:$0x1] =	stream.indirect_vreg.gather [hbm4b:s5+s3], $0x80, v3, vm1, $0xb8;
	[tilespmem:$0x17000] =	vst v63  }
0x119: {  	v3 =	vld [tilespmem:s20+$0x110];
	_ =	sdelay $0x4  }
0x11a: {  	v51 =	vshrl.u32 v3, $0x3  }
0x11b: {  	v4 =	vmul.u32 $0x18, v51  }
0x11c: {  	v3 =	vand.u32 $0x7, v3  }
0x11d: {  	v3 =	vor.u32 v3, v4  }
0x11e: {  	v4 =	vperm.xlane v3, v0;
	_ =	sdelay $0x1  }
0x11f: {  	v4 =	vadd.s32 v1, v4;
	_ =	sdelay $0x1  }
0x120: {  	v3 =	vperm.xlane v3, v2;
	_ =	sdelay $0x1  }
0x121: {  	s1 =	simm.s32 $0x3800;
	v3 =	vadd.s32 v1, v3  }
0x122: {  	[tilespmem:s1], [sflag:$0x1] =	stream.indirect_vreg.gather [hbm4b:s2+s3], $0x80, v4, vm0, $0xb8;
	[tilespmem:$0x17000] =	vst v63  }
0x123: {  	s1 =	simm.s32 $0x4000  }
0x124: {  	[tilespmem:s1], [sflag:$0x1] =	stream.indirect_vreg.gather [hbm4b:s5+s3], $0x80, v4, vm1, $0xb8;
	[tilespmem:$0x17000] =	vst v63  }
0x125: {  	s1 =	simm.s32 $0x4400  }
0x126: {  	[tilespmem:s1], [sflag:$0x1] =	stream.indirect_vreg.gather [hbm4b:s2+s3], $0x80, v3, vm0, $0xb8;
	[tilespmem:$0x17000] =	vst v63  }
0x127: {  	s1 =	simm.s32 $0x4C00  }
0x128: {  	[tilespmem:s1], [sflag:$0x1] =	stream.indirect_vreg.gather [hbm4b:s5+s3], $0x80, v3, vm1, $0xb8;
	[tilespmem:$0x17000] =	vst v63  }
0x129: {  	v3 =	vld [tilespmem:s20+$0x120];
	_ =	sdelay $0x4  }
0x12a: {  	v52 =	vshrl.u32 v3, $0x3  }
0x12b: {  	v4 =	vmul.u32 $0x18, v52  }
0x12c: {  	v3 =	vand.u32 $0x7, v3  }
0x12d: {  	v3 =	vor.u32 v3, v4  }
0x12e: {  	v4 =	vperm.xlane v3, v0;
	_ =	sdelay $0x1  }
0x12f: {  	v4 =	vadd.s32 v1, v4;
	_ =	sdelay $0x1  }
0x130: {  	v3 =	vperm.xlane v3, v2;
	_ =	sdelay $0x1  }
0x131: {  	s1 =	simm.s32 $0x5000;
	v3 =	vadd.s32 v1, v3  }
0x132: {  	[tilespmem:s1], [sflag:$0x1] =	stream.indirect_vreg.gather [hbm4b:s2+s3], $0x80, v4, vm0, $0xb8;
	[tilespmem:$0x17000] =	vst v63  }
0x133: {  	_ = 	snop  }
0x134: {  	[tilespmem:s30], [sflag:$0x1] =	stream.indirect_vreg.gather [hbm4b:s5+s3], $0x80, v4, vm1, $0xb8;
	[tilespmem:$0x17000] =	vst v63  }
0x135: {  	s1 =	simm.s32 $0x5C00  }
0x136: {  	[tilespmem:s1], [sflag:$0x1] =	stream.indirect_vreg.gather [hbm4b:s2+s3], $0x80, v3, vm0, $0xb8;
	[tilespmem:$0x17000] =	vst v63  }
0x137: {  	s1 =	simm.s32 $0x6400  }
0x138: {  	[tilespmem:s1], [sflag:$0x1] =	stream.indirect_vreg.gather [hbm4b:s5+s3], $0x80, v3, vm1, $0xb8;
	[tilespmem:$0x17000] =	vst v63  }
0x139: {  	v3 =	vld [tilespmem:s20+$0x130];
	_ =	sdelay $0x4  }
0x13a: {  	v53 =	vshrl.u32 v3, $0x3  }
0x13b: {  	v4 =	vmul.u32 $0x18, v53  }
0x13c: {  	v3 =	vand.u32 $0x7, v3  }
0x13d: {  	v3 =	vor.u32 v3, v4  }
0x13e: {  	v4 =	vperm.xlane v3, v0;
	_ =	sdelay $0x1  }
0x13f: {  	v4 =	vadd.s32 v1, v4;
	_ =	sdelay $0x1  }
0x140: {  	v3 =	vperm.xlane v3, v2;
	_ =	sdelay $0x1  }
0x141: {  	v3 =	vadd.s32 v1, v3  }
0x142: {  	[tilespmem:s0], [sflag:$0x1] =	stream.indirect_vreg.gather [hbm4b:s2+s3], $0x80, v4, vm0, $0xb8;
	[tilespmem:$0x17000] =	vst v63  }
0x143: {  	_ = 	snop  }
0x144: {  	[tilespmem:s4], [sflag:$0x1] =	stream.indirect_vreg.gather [hbm4b:s5+s3], $0x80, v4, vm1, $0xb8;
	[tilespmem:$0x17000] =	vst v63  }
0x145: {  	_ = 	snop  }
0x146: {  	[tilespmem:s6], [sflag:$0x1] =	stream.indirect_vreg.gather [hbm4b:s2+s3], $0x80, v3, vm0, $0xb8;
	[tilespmem:$0x17000] =	vst v63  }
0x147: {  	_ = 	snop  }
0x148: {  	[tilespmem:s7], [sflag:$0x1] =	stream.indirect_vreg.gather [hbm4b:s5+s3], $0x80, v3, vm1, $0xb8;
	[tilespmem:$0x17000] =	vst v63  }
0x149: {  	v3 =	vld [tilespmem:s20+$0x140];
	_ =	sdelay $0x4  }
0x14a: {  	v54 =	vshrl.u32 v3, $0x3  }
0x14b: {  	v4 =	vmul.u32 $0x18, v54  }
0x14c: {  	v3 =	vand.u32 $0x7, v3  }
0x14d: {  	v3 =	vor.u32 v3, v4  }
0x14e: {  	v4 =	vperm.xlane v3, v0;
	_ =	sdelay $0x1  }
0x14f: {  	v4 =	vadd.s32 v1, v4;
	_ =	sdelay $0x1  }
0x150: {  	v3 =	vperm.xlane v3, v2;
	_ =	sdelay $0x1  }
0x151: {  	v3 =	vadd.s32 v1, v3  }
0x152: {  	[tilespmem:s8], [sflag:$0x1] =	stream.indirect_vreg.gather [hbm4b:s2+s3], $0x80, v4, vm0, $0xb8;
	[tilespmem:$0x17000] =	vst v63  }
0x153: {  	_ = 	snop  }
0x154: {  	[tilespmem:s9], [sflag:$0x1] =	stream.indirect_vreg.gather [hbm4b:s5+s3], $0x80, v4, vm1, $0xb8;
	[tilespmem:$0x17000] =	vst v63  }
0x155: {  	_ = 	snop  }
0x156: {  	[tilespmem:s12], [sflag:$0x1] =	stream.indirect_vreg.gather [hbm4b:s2+s3], $0x80, v3, vm0, $0xb8;
	[tilespmem:$0x17000] =	vst v63  }
0x157: {  	_ = 	snop  }
0x158: {  	[tilespmem:s10], [sflag:$0x1] =	stream.indirect_vreg.gather [hbm4b:s5+s3], $0x80, v3, vm1, $0xb8;
	[tilespmem:$0x17000] =	vst v63  }
0x159: {  	v3 =	vld [tilespmem:s20+$0x150];
	_ =	sdelay $0x4  }
0x15a: {  	v55 =	vshrl.u32 v3, $0x3  }
0x15b: {  	v4 =	vmul.u32 $0x18, v55  }
0x15c: {  	v3 =	vand.u32 $0x7, v3  }
0x15d: {  	v3 =	vor.u32 v3, v4  }
0x15e: {  	v4 =	vperm.xlane v3, v0;
	_ =	sdelay $0x1  }
0x15f: {  	v4 =	vadd.s32 v1, v4;
	_ =	sdelay $0x1  }
0x160: {  	v3 =	vperm.xlane v3, v2;
	_ =	sdelay $0x1  }
0x161: {  	v3 =	vadd.s32 v1, v3  }
0x162: {  	[tilespmem:s24], [sflag:$0x1] =	stream.indirect_vreg.gather [hbm4b:s2+s3], $0x80, v4, vm0, $0xb8;
	[tilespmem:$0x17000] =	vst v63  }
0x163: {  	_ = 	snop  }
0x164: {  	[tilespmem:s31], [sflag:$0x1] =	stream.indirect_vreg.gather [hbm4b:s5+s3], $0x80, v4, vm1, $0xb8;
	[tilespmem:$0x17000] =	vst v63  }
0x165: {  	_ = 	snop  }
0x166: {  	[tilespmem:s21], [sflag:$0x1] =	stream.indirect_vreg.gather [hbm4b:s2+s3], $0x80, v3, vm0, $0xb8;
	[tilespmem:$0x17000] =	vst v63  }
0x167: {  	s1 =	simm.s32 $0xAC00  }
0x168: {  	[tilespmem:s1], [sflag:$0x1] =	stream.indirect_vreg.gather [hbm4b:s5+s3], $0x80, v3, vm1, $0xb8;
	[tilespmem:$0x17000] =	vst v63  }
0x169: {  	v3 =	vld [tilespmem:s20+$0x160];
	_ =	sdelay $0x4  }
0x16a: {  	v56 =	vshrl.u32 v3, $0x3  }
0x16b: {  	v4 =	vmul.u32 $0x18, v56  }
0x16c: {  	v3 =	vand.u32 $0x7, v3  }
0x16d: {  	v3 =	vor.u32 v3, v4  }
0x16e: {  	v4 =	vperm.xlane v3, v0;
	_ =	sdelay $0x1  }
0x16f: {  	v4 =	vadd.s32 v1, v4;
	_ =	sdelay $0x1  }
0x170: {  	v3 =	vperm.xlane v3, v2;
	_ =	sdelay $0x1  }
0x171: {  	s20 =	simm.s32 $0xB000;
	v3 =	vadd.s32 v1, v3  }
0x172: {  	[tilespmem:s20], [sflag:$0x1] =	stream.indirect_vreg.gather [hbm4b:s2+s3], $0x80, v4, vm0, $0xb8;
	[tilespmem:$0x17000] =	vst v63  }
0x173: {  	s20 =	simm.s32 $0xB800  }
0x174: {  	[tilespmem:s20], [sflag:$0x1] =	stream.indirect_vreg.gather [hbm4b:s5+s3], $0x80, v4, vm1, $0xb8;
	[tilespmem:$0x17000] =	vst v63  }
0x175: {  	s20 =	simm.s32 $0xBC00  }
0x176: {  	[tilespmem:s20], [sflag:$0x1] =	stream.indirect_vreg.gather [hbm4b:s2+s3], $0x80, v3, vm0, $0xb8;
	[tilespmem:$0x17000] =	vst v63  }
0x177: {  	s20 =	simm.s32 $0xC400  }
0x178: {  	[tilespmem:s20], [sflag:$0x1] =	stream.indirect_vreg.gather [hbm4b:s5+s3], $0x80, v3, vm1, $0xb8;
	[tilespmem:$0x17000] =	vst v63  }
0x179: {  	_ =	swait.ge [sflag:s16], $0xA800  }
0x17a: {  	s1 =	smin.u32 s19, $0x3C;
	[sflag:s16] =	ssyncset.done $0x0  }
0x17b: {  	s20 =	sshll.u32 s1, $0x7;
	[sflag:s16] =	ssyncadd.s32 $0xFFFF5800  }
0x17c: {  	v3 =	vld [tilespmem:s20+$0x180];
	_ =	sdelay $0x4  }
0x17d: {  	v57 =	vshrl.u32 v3, $0x3  }
0x17e: {  	v4 =	vmul.u32 $0x18, v57  }
0x17f: {  	v3 =	vand.u32 $0x7, v3  }
0x180: {  	v3 =	vor.u32 v3, v4  }
0x181: {  	v4 =	vperm.xlane v3, v0;
	_ =	sdelay $0x1  }
0x182: {  	v4 =	vadd.s32 v1, v4;
	_ =	sdelay $0x1  }
0x183: {  	v3 =	vperm.xlane v3, v2;
	_ =	sdelay $0x1  }
0x184: {  	v3 =	vadd.s32 v1, v3  }
0x185: {  	[tilespmem:s28], [sflag:$0x2] =	stream.indirect_vreg.gather [hbm4b:s2+s3], $0x80, v4, vm0, $0xb8;
	[tilespmem:$0x17000] =	vst v63  }
0x186: {  	s1 =	simm.s32 $0xD000  }
0x187: {  	[tilespmem:s1], [sflag:$0x2] =	stream.indirect_vreg.gather [hbm4b:s5+s3], $0x80, v4, vm1, $0xb8;
	[tilespmem:$0x17000] =	vst v63  }
0x188: {  	s1 =	simm.s32 $0xD400  }
0x189: {  	[tilespmem:s1], [sflag:$0x2] =	stream.indirect_vreg.gather [hbm4b:s2+s3], $0x80, v3, vm0, $0xb8;
	[tilespmem:$0x17000] =	vst v63  }
0x18a: {  	s1 =	simm.s32 $0xDC00  }
0x18b: {  	[tilespmem:s1], [sflag:$0x2] =	stream.indirect_vreg.gather [hbm4b:s5+s3], $0x80, v3, vm1, $0xb8;
	[tilespmem:$0x17000] =	vst v63  }
0x18c: {  	v3 =	vld [tilespmem:s20+$0x190];
	_ =	sdelay $0x4  }
0x18d: {  	v58 =	vshrl.u32 v3, $0x3  }
0x18e: {  	v4 =	vmul.u32 $0x18, v58  }
0x18f: {  	v3 =	vand.u32 $0x7, v3  }
0x190: {  	v3 =	vor.u32 v3, v4  }
0x191: {  	v4 =	vperm.xlane v3, v0;
	_ =	sdelay $0x1  }
0x192: {  	v4 =	vadd.s32 v1, v4;
	_ =	sdelay $0x1  }
0x193: {  	v3 =	vperm.xlane v3, v2;
	_ =	sdelay $0x1  }
0x194: {  	s1 =	simm.s32 $0xE000;
	v3 =	vadd.s32 v1, v3  }
0x195: {  	[tilespmem:s1], [sflag:$0x2] =	stream.indirect_vreg.gather [hbm4b:s2+s3], $0x80, v4, vm0, $0xb8;
	[tilespmem:$0x17000] =	vst v63  }
0x196: {  	s1 =	simm.s32 $0xE800  }
0x197: {  	[tilespmem:s1], [sflag:$0x2] =	stream.indirect_vreg.gather [hbm4b:s5+s3], $0x80, v4, vm1, $0xb8;
	[tilespmem:$0x17000] =	vst v63  }
0x198: {  	s1 =	simm.s32 $0xEC00  }
0x199: {  	[tilespmem:s1], [sflag:$0x2] =	stream.indirect_vreg.gather [hbm4b:s2+s3], $0x80, v3, vm0, $0xb8;
	[tilespmem:$0x17000] =	vst v63  }
0x19a: {  	s1 =	simm.s32 $0xF400  }
0x19b: {  	[tilespmem:s1], [sflag:$0x2] =	stream.indirect_vreg.gather [hbm4b:s5+s3], $0x80, v3, vm1, $0xb8;
	[tilespmem:$0x17000] =	vst v63  }
0x19c: {  	v3 =	vld [tilespmem:s20+$0x1A0];
	_ =	sdelay $0x4  }
0x19d: {  	v59 =	vshrl.u32 v3, $0x3  }
0x19e: {  	v4 =	vmul.u32 $0x18, v59  }
0x19f: {  	v3 =	vand.u32 $0x7, v3  }
0x1a0: {  	v3 =	vor.u32 v3, v4  }
0x1a1: {  	v4 =	vperm.xlane v3, v0;
	_ =	sdelay $0x1  }
0x1a2: {  	v4 =	vadd.s32 v1, v4;
	_ =	sdelay $0x1  }
0x1a3: {  	v3 =	vperm.xlane v3, v2;
	_ =	sdelay $0x1  }
0x1a4: {  	s1 =	simm.s32 $0xF800;
	v3 =	vadd.s32 v1, v3  }
0x1a5: {  	[tilespmem:s1], [sflag:$0x2] =	stream.indirect_vreg.gather [hbm4b:s2+s3], $0x80, v4, vm0, $0xb8;
	[tilespmem:$0x17000] =	vst v63  }
0x1a6: {  	s1 =	simm.s32 $0x10000  }
0x1a7: {  	[tilespmem:s1], [sflag:$0x2] =	stream.indirect_vreg.gather [hbm4b:s5+s3], $0x80, v4, vm1, $0xb8;
	[tilespmem:$0x17000] =	vst v63  }
0x1a8: {  	s1 =	simm.s32 $0x10400  }
0x1a9: {  	[tilespmem:s1], [sflag:$0x2] =	stream.indirect_vreg.gather [hbm4b:s2+s3], $0x80, v3, vm0, $0xb8;
	[tilespmem:$0x17000] =	vst v63  }
0x1aa: {  	s1 =	simm.s32 $0x10C00  }
0x1ab: {  	[tilespmem:s1], [sflag:$0x2] =	stream.indirect_vreg.gather [hbm4b:s5+s3], $0x80, v3, vm1, $0xb8;
	[tilespmem:$0x17000] =	vst v63  }
0x1ac: {  	v3 =	vld [tilespmem:s20+$0x1B0];
	_ =	sdelay $0x4  }
0x1ad: {  	v60 =	vshrl.u32 v3, $0x3  }
0x1ae: {  	v4 =	vmul.u32 $0x18, v60  }
0x1af: {  	v3 =	vand.u32 $0x7, v3  }
0x1b0: {  	v3 =	vor.u32 v3, v4  }
0x1b1: {  	v4 =	vperm.xlane v3, v0;
	_ =	sdelay $0x1  }
0x1b2: {  	v4 =	vadd.s32 v1, v4;
	_ =	sdelay $0x1  }
0x1b3: {  	v3 =	vperm.xlane v3, v2;
	_ =	sdelay $0x1  }
0x1b4: {  	s1 =	simm.s32 $0x11000;
	v3 =	vadd.s32 v1, v3  }
0x1b5: {  	[tilespmem:s1], [sflag:$0x2] =	stream.indirect_vreg.gather [hbm4b:s2+s3], $0x80, v4, vm0, $0xb8;
	[tilespmem:$0x17000] =	vst v63  }
0x1b6: {  	s1 =	simm.s32 $0x11800  }
0x1b7: {  	[tilespmem:s1], [sflag:$0x2] =	stream.indirect_vreg.gather [hbm4b:s5+s3], $0x80, v4, vm1, $0xb8;
	[tilespmem:$0x17000] =	vst v63  }
0x1b8: {  	s1 =	simm.s32 $0x11C00  }
0x1b9: {  	[tilespmem:s1], [sflag:$0x2] =	stream.indirect_vreg.gather [hbm4b:s2+s3], $0x80, v3, vm0, $0xb8;
	[tilespmem:$0x17000] =	vst v63  }
0x1ba: {  	s1 =	simm.s32 $0x12400  }
0x1bb: {  	[tilespmem:s1], [sflag:$0x2] =	stream.indirect_vreg.gather [hbm4b:s5+s3], $0x80, v3, vm1, $0xb8;
	[tilespmem:$0x17000] =	vst v63  }
0x1bc: {  	v3 =	vld [tilespmem:s20+$0x1C0];
	_ =	sdelay $0x4  }
0x1bd: {  	v61 =	vshrl.u32 v3, $0x3  }
0x1be: {  	v4 =	vmul.u32 $0x18, v61  }
0x1bf: {  	v3 =	vand.u32 $0x7, v3  }
0x1c0: {  	v3 =	vor.u32 v3, v4  }
0x1c1: {  	v4 =	vperm.xlane v3, v0;
	_ =	sdelay $0x1  }
0x1c2: {  	v4 =	vadd.s32 v1, v4;
	_ =	sdelay $0x1  }
0x1c3: {  	v3 =	vperm.xlane v3, v2;
	_ =	sdelay $0x1  }
0x1c4: {  	s1 =	simm.s32 $0x12800;
	v3 =	vadd.s32 v1, v3  }
0x1c5: {  	[tilespmem:s1], [sflag:$0x2] =	stream.indirect_vreg.gather [hbm4b:s2+s3], $0x80, v4, vm0, $0xb8;
	[tilespmem:$0x17000] =	vst v63  }
0x1c6: {  	s1 =	simm.s32 $0x13000  }
0x1c7: {  	[tilespmem:s1], [sflag:$0x2] =	stream.indirect_vreg.gather [hbm4b:s5+s3], $0x80, v4, vm1, $0xb8;
	[tilespmem:$0x17000] =	vst v63  }
0x1c8: {  	s1 =	simm.s32 $0x13400  }
0x1c9: {  	[tilespmem:s1], [sflag:$0x2] =	stream.indirect_vreg.gather [hbm4b:s2+s3], $0x80, v3, vm0, $0xb8;
	[tilespmem:$0x17000] =	vst v63  }
0x1ca: {  	s1 =	simm.s32 $0x13C00  }
0x1cb: {  	[tilespmem:s1], [sflag:$0x2] =	stream.indirect_vreg.gather [hbm4b:s5+s3], $0x80, v3, vm1, $0xb8;
	[tilespmem:$0x17000] =	vst v63  }
0x1cc: {  	v3 =	vld [tilespmem:s20+$0x1D0];
	_ =	sdelay $0x4  }
0x1cd: {  	v62 =	vshrl.u32 v3, $0x3  }
0x1ce: {  	v4 =	vmul.u32 $0x18, v62  }
0x1cf: {  	v3 =	vand.u32 $0x7, v3  }
0x1d0: {  	v3 =	vor.u32 v3, v4  }
0x1d1: {  	v4 =	vperm.xlane v3, v0;
	_ =	sdelay $0x1  }
0x1d2: {  	v4 =	vadd.s32 v1, v4;
	_ =	sdelay $0x1  }
0x1d3: {  	v3 =	vperm.xlane v3, v2;
	_ =	sdelay $0x1  }
0x1d4: {  	s1 =	simm.s32 $0x14000;
	v3 =	vadd.s32 v1, v3  }
0x1d5: {  	[tilespmem:s1], [sflag:$0x2] =	stream.indirect_vreg.gather [hbm4b:s2+s3], $0x80, v4, vm0, $0xb8;
	[tilespmem:$0x17000] =	vst v63  }
0x1d6: {  	s1 =	simm.s32 $0x14800  }
0x1d7: {  	[tilespmem:s1], [sflag:$0x2] =	stream.indirect_vreg.gather [hbm4b:s5+s3], $0x80, v4, vm1, $0xb8;
	[tilespmem:$0x17000] =	vst v63  }
0x1d8: {  	s1 =	simm.s32 $0x14C00  }
0x1d9: {  	[tilespmem:s1], [sflag:$0x2] =	stream.indirect_vreg.gather [hbm4b:s2+s3], $0x80, v3, vm0, $0xb8;
	[tilespmem:$0x17000] =	vst v63  }
0x1da: {  	s1 =	simm.s32 $0x15400  }
0x1db: {  	[tilespmem:s1], [sflag:$0x2] =	stream.indirect_vreg.gather [hbm4b:s5+s3], $0x80, v3, vm1, $0xb8;
	[tilespmem:$0x17000] =	vst v63  }
0x1dc: {  	v3 =	vld [tilespmem:s20+$0x1E0];
	_ =	sdelay $0x4  }
0x1dd: {  	v63 =	vshrl.u32 v3, $0x3  }
0x1de: {  	v4 =	vmul.u32 $0x18, v63  }
0x1df: {  	v3 =	vand.u32 $0x7, v3  }
0x1e0: {  	v3 =	vor.u32 v3, v4  }
0x1e1: {  	v4 =	vperm.xlane v3, v0;
	_ =	sdelay $0x1  }
0x1e2: {  	v4 =	vadd.s32 v1, v4;
	_ =	sdelay $0x2  }
0x1e3: {  	v3 =	vperm.xlane v3, v2;
	_ =	sdelay $0x1  }
0x1e4: {  	v3 =	vadd.s32 v1, v3;
	[tilespmem:s25], [sflag:$0x2] =	stream.indirect_vreg.gather [hbm4b:s2+s3], $0x80, v4, vm0, $0xb8;
	[tilespmem:$0x17000] =	vst v63  }
0x1e5: {  	p0 =	sne.s32 s19, $0x3E  }
0x1e6: {  	[tilespmem:s22], [sflag:$0x2] =	stream.indirect_vreg.gather [hbm4b:s5+s3], $0x80, v4, vm1, $0xb8;
	[tilespmem:$0x17000] =	vst v63  }
.Ltmp0:
0x1e7: {  	_ = 	snop;
	(pc) =	sbr.rel @p0 .LBB2_2-.Ltmp0, $4  }
0x1e8: {  	_ = 	snop  }
0x1e9: {  	[tilespmem:s26], [sflag:$0x2] =	stream.indirect_vreg.gather [hbm4b:s2+s3], $0x80, v3, vm0, $0xb8;
	[tilespmem:$0x17000] =	vst v63  }
0x1ea: {  	s17 =	sadd.s32 $0x2A00, s17;
	s18 =	sadd.s32 $0x2A00, s18;
	s19 =	sadd.s32 $0x2, s19  }
0x1eb: {  	[tilespmem:s29], [sflag:$0x2] =	stream.indirect_vreg.gather [hbm4b:s5+s3], $0x80, v3, vm1, $0xb8;
	[tilespmem:$0x17000] =	vst v63  }
0x1ec: {  	_ =	swait.ge [sflag:s13], $0xA800;
	s18 =	simm.s32 $0x2800  }
0x1ed: {  	s19 =	simm.s32 $0x2C00;
	s20 =	simm.s32 $0x3400;
	[sflag:s13] =	ssyncset.done $0x0  }
0x1ee: {  	s21 =	simm.s32 $0x3800;
	s22 =	simm.s32 $0x4000;
	[sflag:s13] =	ssyncadd.s32 $0xFFFF5800  }
0x1ef: {  	s23 =	simm.s32 $0x4400;
	s24 =	simm.s32 $0x4C00;
	_ =	swait.ge [sflag:s14], $0xA800  }
0x1f0: {  	s25 =	simm.s32 $0x5000;
	s26 =	simm.s32 $0x5800;
	s0 =	rddreg [dreg:$0x7]  }
0x1f1: {  	s28 =	simm.s32 $0x5C00;
	s17 =	rddreg [dreg:$0x4];
	s0 =	sadd.s32 $0x1, s0  }
0x1f2: {  	s1 =	simm.s32 $0x6400;
	s4 =	simm.s32 $0x7000;
	p0 =	sne.s32 s0, s17  }
.Ltmp1:
0x1f3: {  	s6 =	simm.s32 $0x7400;
	s7 =	simm.s32 $0x7C00;
	(pc) =	sbr.rel @p0 .LBB2_1-.Ltmp1, $4  }
0x1f4: {  	s8 =	simm.s32 $0x8000;
	s9 =	simm.s32 $0x8800;
	s12 =	simm.s32 $0x8C00  }
0x1f5: {  	s10 =	simm.s32 $0x9400;
	s11 =	simm.s32 $0x2000;
	s29 =	simm.s32 $0x9800  }
0x1f6: {  	s30 =	simm.s32 $0xA000;
	s31 =	simm.s32 $0xA400;
	[sflag:s14] =	ssyncset.done $0x0  }
0x1f7: {  	[sflag:s14] =	ssyncadd.s32 $0xFFFF5800;
	[dreg:$0x7] =	wrdreg s0;
	s0 =	simm.s32 $0x6800  }
0x1f8: {  	_ =	sfence.sel $0x180000  }
0x1f9: {  	[bflag:$0x0] =	sbarrier.arrive $0xFFFF  }
0x1fa: {  	_ =	strace $0x90000047  }
0x1fb: {  	s0 =	stileid.u32;
	[bflag:$0x2] =	sbarrier.arrive $0xFFFF  }
0x1fc: {  	p0 =	sne.s32 s0, $0x0;
	s0 =	rddreg [dreg:$0x2]  }
0x1fd: {  	s0 =	sadd.s32 @!p0 $0x100000, s0  }
0x1fe: {  	[sflag:s0] =	ssyncadd.tile.s32 @!p0 $0x1;
	_ =	shalt  }
.Lfunc_end2:
_tile_overlayer_lowered:
.L_overlay_start_2:
0x1ff: {  	(tag) =	ssettag $0x2  }
0x200: {  	s0 =	rddreg [dreg:$0x0];
	s2 =	stileid.u32  }
0x201: {  	s1 =	rddreg [dreg:$0x1];
	p0 =	sne.s32 s2, $0x0  }
0x202: {  	s3 =	rddreg [dreg:$0x2];
	[bflag:$0x3] =	sbarrier.arrive $0xFFFF;
	s2 =	simm.s32 @!p0 $0x1C05  }
0x203: {  	[timem:s3], [sflag:s2] =	dma.local @!p0 [hbm:s0], s1  }
0x204: {  	s0 =	simm.s32 @!p0 $0x5  }
0x205: {  	_ =	swait.ge @!p0 [sflag:s0], s1  }
0x206: {  	s1 =	ssub.s32 @!p0 $0x0, s1;
	[sflag:s0] =	ssyncset.done @!p0 $0x0  }
0x207: {  	[sflag:s0] =	ssyncadd.s32 @!p0 s1  }
0x208: {  	[bflag:$0x3] =	sbarrier.arrive $0xFFFF  }
0x209: {  	_ =	shalt  }

// kernel: sparse-core-data-format-call.cloned.1.call-start
scs
called_computation_lowered:
.L_overlay_start_0:
0x0: {  	s2 =	sld [smem:$0x3FD9]  }
0x1: {  	s3 =	sld [smem:$0x3FFE];
	_ =	sdelay $0x1  }
0x2: {  	s1 =	srdreg.scid  }
0x3: {  	s0 =	sand.u32 $0x1, s1  }
0x4: {  	s18 =	sshll.u32 s0, $0xA;
	s2 =	sadd.s32 s3, s2  }
0x5: {  	s2 =	sadd.s32 s2, s18  }
0x6: {  	[smem:$0x3FC6] =	sst s2  }
0x7: {  	_ = 	snop  }
0x8: {  	s2 =	sld [smem:$0x3FD0];
	(tm) =	ssettm $0x1  }
0x9: {  	s19 =	sld [smem:$0x3FFB];
	_ =	sdelay $0x3  }
0xa: {  	_ =	strace s19  }
0xb: {  	s3 =	sld [smem:$0x3FFC];
	_ =	sdelay $0x3  }
0xc: {  	_ =	strace s3  }
0xd: {  	s3 =	sld [smem:$0x3FFD];
	_ =	sdelay $0x3  }
0xe: {  	_ =	strace s3  }
0xf: {  	_ =	strace $0x8FFFFFFF  }
0x10: {  	s20 =	sld [smem:$0x3FDB];
	_ =	sdelay $0x1  }
0x11: {  	s4 =	simm.s32 $_scs_section_size  }
0x12: {  	s5 =	simm.s32 $_size__tile_overlayer_lowered;
	s6 =	simm.s32 $_tile_overlayer_lowered  }
0x13: {  	s23 =	simm.s32 $0x1BFF;
	s22 =	sshll.u32 s6, $0x1;
	s3 =	sadd.s32 s4, s20  }
0x14: {  	s7 =	simm.s32 $0x0;
	s21 =	sshll.u32 s5, $0x1;
	s5 =	sadd.s32 s22, s3  }
0x15: {  	[timem:s7], [sflag:s23] =	dma.local [hbm:s5], s21  }
0x16: {  	_ =	swait.ge [sflag:s23], s21  }
0x17: {  	s4 =	ssub.s32 $0x0, s21;
	[sflag:s23] =	ssyncset.done $0x0  }
0x18: {  	[sflag:s23] =	ssyncadd.s32 s4;
	_ =	sdelay $0x1  }
0x19: {  	s24 =	simm.s32 $0x1B8B  }
0x1a: {  	_ =	swait.ge [sflag:s24], $0x1  }
0x1b: {  	[sflag:s24] =	ssyncset.done $0x0  }
0x1c: {  	s26 =	simm.s32 $0x1B8E;
	s25 =	sld [smem:$0x3FFE];
	[sflag:s24] =	ssyncadd.s32 $0xFFFFFFFF  }
0x1d: {  	s27 =	simm.s32 $execute0_lowered;
	[smem:$0x3FD2] =	sst s26  }
0x1e: {  	s5 =	sshll.u32 s27, $0x1;
	_ =	strace $0x80000049;
	[dreg:$0x1] =	wrdreg $0xFFFFFFFF  }
0x1f: {  	s28 =	simm.s32 $_size_execute0_lowered;
	s3 =	sadd.s32 s3, s5;
	[dreg:$0x0] =	wrdreg $0x0  }
0x20: {  	s5 =	sshll.u32 s28, $0x1;
	[dreg:$0x2] =	wrdreg s3  }
0x21: {  	[dreg:$0x3] =	wrdreg s5  }
0x22: {  	[dreg:$0x4] =	wrdreg $0xC0  }
0x23: {  	_ =	task [dreg:s7], $0x5FFFF  }
0x24: {  	[dreg:$0x1] =	wrdreg $0xFFFFFFFF  }
0x25: {  	[dreg:$0x0] =	wrdreg $0x60  }
0x26: {  	[dreg:$0x2] =	wrdreg s25  }
0x27: {  	[dreg:$0x3] =	wrdreg s2  }
0x28: {  	[dreg:$0x4] =	wrdreg $0x9  }
0x29: {  	_ =	task.clear_ibuf [dreg:s7], $0x5FFFF;
	_ =	strace $0x90000049  }
0x2a: {  	s29 =	simm.s32 $0x9;
	_ =	strace $0x8000004B  }
0x2b: {  	_ =	swait.ge [sflag:s29], $0x1  }
0x2c: {  	[sflag:s29] =	ssyncadd.s32 $0xFFFFFFFF  }
0x2d: {  	_ =	strace $0x9000004B  }
0x2e: {  	_ =	sfence  }
0x2f: {  	s30 =	sld [smem:$0x0];
	_ =	sdelay $0x2  }
0x30: {  	s31 =	sshll.u32 s1, $0xD;
	s1 =	sshrl.u32 s1, $0x2  }
0x31: {  	s3 =	sand.u32 $0x4000, s31;
	s1 =	sadd.s32 s1, s30  }
0x32: {  	s0 =	sor.u32 s3, s0;
	s1 =	sshll.u32 s1, $0x11  }
0x33: {  	s0 =	sor.u32 s1, s0  }
0x34: {  	s0 =	sadd.s32 $0x8F2B, s0  }
0x35: {  	[sflag:s0] =	ssyncadd.remote.s32 $0x1  }
0x36: {  	_ =	sfence.sel $0xFFFF  }
0x37: {  	[dreg:$0x0] =	wrdreg $0xFFFFFFFF;
	(pc) =	sbr.abs _section_cstart, $3  }
0x38: {  	[dreg:$0x1] =	wrdreg $0xFFFFFFFF  }
0x39: {  	_ =	task.clear_ibuf [dreg:s7], $0x2FFFF;
	_ =	strace $0x9FFFFFFF  }
0x3a: {  	(tm) =	ssettm $0x7FFFFFFF  }
0x3b: {  	_ =	shalt  }
tec
execute0_lowered:
.L_overlay_start_1:
0x0: {  	(tag) =	ssettag $0x1  }
0x1: {  	s0 =	srdreg.scid;
	s6 =	rddreg [dreg:$0x0]  }
0x2: {  	s3 =	rddreg [dreg:$0x1];
	s1 =	sshll.u32 s0, $0x4  }
0x3: {  	s5 =	simm.s32 $0x1;
	s0 =	stileid.u32;
	s1 =	sand.u32 $0x10, s1  }
0x4: {  	s31 =	simm.s32 $0x2;
	s16 =	simm.s32 $0x0;
	s1 =	sor.u32 s0, s1  }
0x5: {  	s8 =	simm.s32 $0x8000;
	s18 =	simm.s32 $0x0;
	s2 =	sshll.u32 s1, $0x7  }
0x6: {  	s17 =	simm.s32 $0x0;
	s9 =	simm.s32 $0x0;
	s4 =	ssub.s32 $0x1000, s2  }
0x7: {  	s10 =	simm.s32 $0x0;
	s11 =	simm.s32 $0x0;
	s30 =	sand.u32 $0xF80, s4  }
0x8: {  	s12 =	simm.s32 $0x0;
	s13 =	simm.s32 $0x0;
	p0 =	sne.s32 s30, $0x0  }
.Ltmp0:
0x9: {  	s7 =	sshrl.u32 s4, $0xC;
	s5 =	simm.s32 @!p0 $0x0;
	(pc) =	sbr.rel .LBB1_1-.Ltmp0, $4  }
0xa: {  	s15 =	simm.s32 $0x0;
	s1 =	rddreg [dreg:$0x2];
	s5 =	sadd.s32 s5, s7  }
0xb: {  	_ =	strace $0x8000004A;
	s4 =	simm.s32 $0x1;
	s5 =	smul.u32 $0x96, s5  }
0xc: {  	s6 =	sadd.s32 $0x8800, s6;
	s14 =	smov.u32 s2;
	[sflag:s4] =	ssyncpa.u1 $0x0  }
0xd: {  	[sflag:s31] =	ssyncpa.u1 $0x0;
	p0 =	por $0x0, $0x0;
	s7 =	sor.u32 $0x1, s5  }
.LBB1_4:
0xe: {  	s23 =	sshra.s32 s23, $0x2;
	s30 =	sshll.u32 s9, $0xC  }
0xf: {  	p1 =	sgt.s32 s10, $0x31;
	s24 =	smov.u32 s10;
	s25 =	sshra.s32 s10, $0x1F  }
0x10: {  	s26 =	sshll.u32 s11, $0x3;
	s28 =	smov.u32 s11;
	s29 =	sshra.s32 s11, $0x1F  }
0x11: {  	s22 =	sadd.s32 s23, s22;
	s24 =	simm.s32 @!p1 $0x31;
	s25 =	sand.u32 s25, s10  }
0x12: {  	s23 =	sand.u32 $0xFFFF8000, s30;
	s27 =	sand.u32 $0xFFFFFC00, s26;
	p1 =	sgt.s32 s9, $0xB0  }
0x13: {  	s31 =	sand.u32 s29, s11;
	s29 =	sshll.u32 s9, $0x7;
	s30 =	sshra.s32 s9, $0x1F  }
0x14: {  	[tilespmem:s21+$0x2040 ss:$0x81] =	vst.msk $0xffff, v4;
	s24 =	ssub.s32 s24, s25;
	s23 =	sadd.s32 s27, s23;
	s27 =	smov.u32 s9  }
0x15: {  	[tilespmem:s21+$0x2850 ss:$0x81] =	vst.msk $0xffff, v3;
	s29 =	sand.u32 $0x380, s29;
	s25 =	sadd.s32 $0xFFFFFFCF, s24;
	s27 =	simm.s32 @!p1 $0xB0  }
0x16: {  	v5 =	vld [tilespmem:s20+$0xFFFFFFD0];
	[tilespmem:s21+$0x3060 ss:$0x81] =	vst.msk $0xffff, v2;
	p1 =	sgt.s32 s11, $0xF80;
	s23 =	sshrl.u32 s23, $0xC;
	s24 =	ssub.s32 $0x32, s24  }
0x17: {  	v58 =	vld [tilespmem:s20+$0xFFFFFFE0];
	[tilespmem:s21+$0x0 ss:$0x81] =	vst.msk $0xffff, v1;
	s28 =	simm.s32 @!p1 $0xF80;
	p1 =	sgt.s32 s25, $0x0;
	s21 =	smulhi.u32 $0xD79436, s23  }
0x18: {  	v59 =	vld [tilespmem:s20+$0xFFFFFFF0];
	s25 =	ssub.s32 s28, s31;
	s28 =	sand.u32 s30, s9;
	s24 =	simm.s32 @p1 $0x0  }
0x19: {  	v60 =	vld [tilespmem:s20+$0x0];
	s27 =	ssub.s32 s27, s28;
	s31 =	sadd.s32 $0xFFFFF080, s25;
	s25 =	ssub.s32 $0x1000, s25  }
0x1a: {  	v61 =	vld [tilespmem:s20+$0x10];
	[tilespmem:s22+$0x3870 ss:$0x81] =	vst.msk $0xffff, v0;
	s21 =	smul.u32 $0x130, s21;
	s28 =	sand.u32 $0x7, s11;
	p1 =	sgt.s32 s31, $0x7F  }
0x1b: {  	v62 =	vld [tilespmem:s20+$0x20];
	[tilespmem:s22+$0x810 ss:$0x81] =	vst.msk $0xffff, v5;
	s30 =	sadd.s32 $0xFFFFFF50, s27;
	s31 =	sand.u32 $0x78, s11;
	s25 =	simm.s32 @p1 $0x0  }
0x1c: {  	v63 =	vld [tilespmem:s20+$0xFFFFFFC0];
	[tilespmem:s22+$0x1020 ss:$0x81] =	vst.msk $0xffff, v58;
	p1 =	sgt.s32 s30, $0x7F;
	s30 =	sand.u32 $0xC00, s26;
	s24 =	smul.u32 s25, s24  }
0x1d: {  	[tilespmem:s22+$0x1830 ss:$0x81] =	vst.msk $0xffff, v59;
	s26 =	ssub.s32 $0x130, s27;
	s20 =	sor.u32 s31, s30;
	s31 =	smul.u32 $0x26000, s10  }
0x1e: {  	[tilespmem:s22+$0x2040 ss:$0x81] =	vst.msk $0xffff, v60;
	s21 =	ssub.s32 s23, s21;
	s26 =	simm.s32 @p1 $0x0;
	s20 =	sor.u32 s29, s20  }
0x1f: {  	[tilespmem:s22+$0x2850 ss:$0x81] =	vst.msk $0xffff, v61;
	s26 =	smul.u32 s26, s24;
	s20 =	sshrl.u32 s20, $0x3;
	s27 =	sadd.s32 s3, s31  }
0x20: {  	[tilespmem:s22+$0x3060 ss:$0x81] =	vst.msk $0xffff, v62;
	s21 =	sshll.u32 s21, $0x9;
	s29 =	sshll.u32 s28, $0x12;
	s20 =	sadd.s32 s20, s27  }
0x21: {  	[tilespmem:s22+$0x0 ss:$0x81] =	vst.msk $0xffff, v63;
	s31 =	sor.u32 $0x400, s29;
	s30 =	sand.u32 $0x3FFFFFFF, s26;
	s20 =	sadd.s32 s21, s20  }
0x22: {  	[hbm4b:s20+s31] =	stream.strided.scatter [tilespmem:s19], [sflag:$0x2], s30, s8, s31, $0x20;
	[tilespmem:$0x10100] =	vst v63  }
.LBB1_5:
0x23: {  	p1 =	slt.u32 s15, $0x2  }
0x24: {  	p2 =	sgt.s32 @!p1 s18, $0x31  }
0x25: {  	s19 =	smov.u32 s18;
	s20 =	sshra.s32 @!p1 s18, $0x1F;
	p2 =	por !p2, p1  }
0x26: {  	s18 =	sand.u32 @!p1 s20, s18;
	s19 =	simm.s32 @p2 $0x31  }
0x27: {  	p3 =	sgt.s32 @!p1 s16, $0xB0;
	s18 =	ssub.s32 @!p1 s19, s18  }
0x28: {  	p4 =	sgt.s32 @!p1 s17, $0xF80;
	s21 =	sshra.s32 @!p1 s17, $0x1F;
	s19 =	sadd.s32 @!p1 $0xFFFFFFCF, s18  }
0x29: {  	s20 =	smov.u32 s16;
	p2 =	sgt.s32 @!p1 s19, $0x0;
	s19 =	sshra.s32 @!p1 s16, $0x1F  }
0x2a: {  	p4 =	por !p4, p1;
	s16 =	sand.u32 @!p1 s19, s16;
	s19 =	smov.u32 s17  }
0x2b: {  	p3 =	por !p3, p1;
	s17 =	sand.u32 @!p1 s21, s17;
	s19 =	simm.s32 @p4 $0xF80  }
0x2c: {  	s20 =	simm.s32 @p3 $0xB0;
	s18 =	ssub.s32 @!p1 $0x32, s18;
	s17 =	ssub.s32 @!p1 s19, s17  }
0x2d: {  	p2 =	por !p2, p1;
	s16 =	ssub.s32 @!p1 s20, s16;
	s20 =	sadd.s32 @!p1 $0xFFFFF080, s17  }
0x2e: {  	s18 =	simm.s32 @!p2 $0x0;
	p3 =	sgt.s32 @!p1 s20, $0x7F  }
0x2f: {  	s19 =	sadd.s32 @!p1 $0xFFFFFF50, s16;
	s17 =	ssub.s32 @!p1 $0x1000, s17;
	p3 =	por !p3, p1  }
0x30: {  	p2 =	sgt.s32 @!p1 s19, $0x7F;
	s19 =	sadd.s32 $0x80, s12;
	s17 =	simm.s32 @!p3 $0x0  }
0x31: {  	p3 =	sgt.s32 s19, $0x12B;
	s17 =	smul.u32 @!p1 s17, s18;
	s18 =	simm.s32 $0x1  }
0x32: {  	s16 =	ssub.s32 @!p1 $0x130, s16;
	p2 =	por !p2, p1;
	s18 =	simm.s32 @!p3 $0x0  }
0x33: {  	s21 =	smov.u32 s14;
	s16 =	simm.s32 @!p2 $0x0;
	s20 =	sadd.s32 s18, s13  }
0x34: {  	s16 =	smul.u32 @!p1 s16, s17;
	s17 =	sadd.s32 $0x1000, s14;
	p2 =	sgt.s32 s20, $0x31  }
0x35: {  	p0 =	por !p0, !p0;
	s22 =	simm.s32 @!p1 $0x2;
	s21 =	smov.u32 @p2 s17  }
0x36: {  	s19 =	simm.s32 @p3 $0x0;
	s20 =	simm.s32 @p2 $0x0;
	p2 =	sgt.s32 s21, $0xFFF  }
0x37: {  	s18 =	smov.u32 s10;
	s21 =	smov.u32 @p2 s2;
	p2 =	sne.s32 s15, s7  }
.Ltmp1:
0x38: {  	s10 =	smov.u32 s13;
	s16 =	sand.u32 @!p1 $0x3FFFFFFF, s16;
	(pc) =	sbr.rel @!p2 .LBB1_6-.Ltmp1, $4  }
0x39: {  	s17 =	smov.u32 s11;
	s11 =	smov.u32 s14;
	_ =	swait.ge @!p1 [sflag:s22], s16  }
0x3a: {  	s23 =	ssub.s32 @!p1 $0x0, s16;
	s16 =	smov.u32 s9;
	s9 =	smov.u32 s12  }
0x3b: {  	s12 =	smov.u32 s19;
	s13 =	smov.u32 s20;
	[sflag:s22] =	ssyncset.done @!p1 $0x0  }
0x3c: {  	s15 =	sadd.s32 $0x1, s15;
	[sflag:s22] =	ssyncadd.s32 @!p1 s23;
	s14 =	smov.u32 s21  }
.LBB1_1:
0x3d: {  	p1 =	sge.u32 s15, s5  }
0x3e: {  	s19 =	sshrl.u32 @!p1 s13, $0x3  }
0x3f: {  	s20 =	sshll.u32 @!p1 s12, $0x3;
	s19 =	smul.u32 @!p1 $0xC00, s19  }
0x40: {  	s21 =	sshll.u32 @!p1 s13, $0x7;
	s20 =	sand.u32 @!p1 $0xFFFFFC00, s20  }
0x41: {  	s19 =	sadd.s32 @!p1 s19, s20;
	s20 =	sand.u32 @!p1 $0x380, s21  }
0x42: {  	s19 =	sor.u32 @!p1 s20, s19  }
0x43: {  	s20 =	sand.u32 @!p1 $0x7F, s12;
	s21 =	smulhi.u32 @!p1 $0xAAAAAAAB, s19  }
0x44: {  	s19 =	sor.u32 @!p1 s20, s19  }
0x45: {  	s20 =	smulhi.u32 @!p1 $0xAAAAAAAB, s19;
	s21 =	sshrl.u32 @!p1 s21, $0x8  }
0x46: {  	s22 =	smulhi.u32 @!p1 $0x4924925, s21;
	_ =	sdelay $0x1  }
0x47: {  	s20 =	sshrl.u32 @!p1 s20, $0x8;
	s22 =	smul.u32 @!p1 $0x38, s22  }
0x48: {  	s31 =	sadd.s32 $0xFFFFFFFF, s15;
	s20 =	smul.u32 @!p1 $0x180, s20  }
0x49: {  	s23 =	sxor.u32 @!p1 $0xFFFFFFFF, s15;
	s21 =	ssub.s32 @!p1 s21, s22;
	s22 =	smul.u32 @!p1 $0xA80, s14  }
0x4a: {  	s23 =	sshll.u32 @!p1 s23, $0xE;
	s19 =	ssub.s32 @!p1 s19, s20;
	s20 =	smul.u32 @!p1 $0x30, s21  }
0x4b: {  	s21 =	sand.u32 @!p1 $0x4000, s23;
	s23 =	sand.u32 @!p1 $0x7, s19;
	s22 =	sadd.s32 @!p1 s6, s22  }
0x4c: {  	s19 =	sshrl.u32 @!p1 s19, $0x3;
	s20 =	sadd.s32 @!p1 s20, s22;
	s22 =	sshll.u32 @!p1 s23, $0x12  }
0x4d: {  	s19 =	sadd.s32 @!p1 s19, s20;
	s20 =	sor.u32 @!p1 $0x80, s22;
	s22 =	simm.s32 @!p1 $0x5400  }
0x4e: {  	[tilespmem:s21], [sflag:$0x1] =	stream.strided.gather @!p1 [hbm4b:s19+s20], $0x4000, s22, s20, $0x38;
	[tilespmem:$0x10100] =	vst v63  }
0x4f: {  	p1 =	sge.u32 s31, s5  }
.Ltmp2:
0x50: {  	_ = 	snop;
	(pc) =	sbr.rel @p1 .LBB1_5-.Ltmp2, $1  }
0x51: {  	_ =	sdelay $0x3  }
0x52: {  	s19 =	simm.s32 $0x1  }
0x53: {  	_ =	swait.ge [sflag:s4], $0x4000;
	s19 =	simm.s32 @!p0 $0x0  }
0x54: {  	[sflag:s4] =	ssyncset.done $0x0;
	s20 =	sshll.u32 s19, $0xE  }
0x55: {  	[sflag:s4] =	ssyncadd.s32 $0xFFFFC000;
	s20 =	sor.u32 $0x40, s20  }
0x56: {  	s19 =	smul.u32 $0x10200, s19;
	v0 =	vld [tilespmem:s20+$0x30]  }
0x57: {  	v1 =	vld [tilespmem:s20+$0xFFFFFFD0]  }
0x58: {  	s19 =	sshrl.u32 s19, $0x2;
	v5 =	vld [tilespmem:s20+$0xFFFFFFE0]  }
0x59: {  	v6 =	vld [tilespmem:s20+$0xFFFFFFF0];
	s22 =	sor.u32 $0x8000, s19  }
0x5a: {  	s31 =	sand.u32 $0x1, s15;
	v4 =	vld [tilespmem:s20+$0x0];
	s21 =	sadd.s32 $0x0, s22  }
0x5b: {  	v3 =	vld [tilespmem:s20+$0x10];
	s19 =	smul.u32 $0x10200, s31;
	[tilespmem:s21+$0x3870 ss:$0x81] =	vst.msk $0xffff, v0  }
0x5c: {  	v2 =	vld [tilespmem:s20+$0x20];
	[tilespmem:s21+$0x810 ss:$0x81] =	vst.msk $0xffff, v1  }
0x5d: {  	s19 =	sshrl.u32 s19, $0x2;
	v1 =	vld [tilespmem:s20+$0xFFFFFFC0];
	[tilespmem:s21+$0x1020 ss:$0x81] =	vst.msk $0xffff, v5;
	s20 =	sadd.s32 $0x80, s20  }
0x5e: {  	s23 =	simm.s32 $0x4;
	s24 =	simm.s32 $0x8;
	s19 =	sor.u32 $0x8000, s19;
	[tilespmem:s21+$0x1830 ss:$0x81] =	vst.msk $0xffff, v6;
	v0 =	vld [tilespmem:s20+$0x30]  }
.LBB1_3:
0x5f: {  	p1 =	sne.s32 s24, $0x1FC;
	v5 =	vld [tilespmem:s20+$0xFFFFFFD0];
	[tilespmem:s21+$0x2040 ss:$0x81] =	vst.msk $0xffff, v4  }
0x60: {  	v6 =	vld [tilespmem:s20+$0xFFFFFFE0];
	[tilespmem:s21+$0x2850 ss:$0x81] =	vst.msk $0xffff, v3  }
0x61: {  	s25 =	sshra.s32 s23, $0x2;
	s23 =	smov.u32 s24;
	v7 =	vld [tilespmem:s20+$0xFFFFFFF0];
	[tilespmem:s21+$0x3060 ss:$0x81] =	vst.msk $0xffff, v2  }
.Ltmp3:
0x62: {  	v4 =	vld [tilespmem:s20+$0x0];
	[tilespmem:s21+$0x0 ss:$0x81] =	vst.msk $0xffff, v1;
	s21 =	sadd.s32 s25, s22;
	(pc) =	sbr.rel @p1 .LBB1_3-.Ltmp3, $4  }
0x63: {  	v3 =	vld [tilespmem:s20+$0x10];
	[tilespmem:s21+$0x3870 ss:$0x81] =	vst.msk $0xffff, v0  }
0x64: {  	[tilespmem:s21+$0x810 ss:$0x81] =	vst.msk $0xffff, v5;
	v2 =	vld [tilespmem:s20+$0x20]  }
0x65: {  	v1 =	vld [tilespmem:s20+$0xFFFFFFC0];
	[tilespmem:s21+$0x1020 ss:$0x81] =	vst.msk $0xffff, v6;
	s20 =	sadd.s32 $0x80, s20  }
0x66: {  	s24 =	sadd.s32 $0x4, s24;
	v0 =	vld [tilespmem:s20+$0x30];
	[tilespmem:s21+$0x1830 ss:$0x81] =	vst.msk $0xffff, v7  }
.Ltmp4:
0x67: {  	_ = 	snop;
	(pc) =	sbr.rel .LBB1_4-.Ltmp4, $1  }
0x68: {  	_ =	sdelay $0x3  }
.LBB1_6:
0x69: {  	_ =	sfence.sel $0x180000  }
0x6a: {  	s2 =	simm.s32 $0x1;
	[bflag:$0x0] =	sbarrier.arrive $0xFFFF  }
0x6b: {  	s31 =	simm.s32 $0x2;
	[sflag:s2] =	ssyncpa.u1 $0x1  }
0x6c: {  	[sflag:s31] =	ssyncpa.u1 $0x1  }
0x6d: {  	p0 =	sne.s32 s0, $0x0;
	_ =	strace $0x9000004A  }
0x6e: {  	s0 =	sadd.s32 @!p0 $0x100000, s1;
	[bflag:$0x2] =	sbarrier.arrive $0xFFFF  }
0x6f: {  	[sflag:s0] =	ssyncadd.tile.s32 @!p0 $0x1;
	_ =	shalt  }
.Lfunc_end1:
_tile_overlayer_lowered:
.L_overlay_start_2:
0x70: {  	(tag) =	ssettag $0x2  }
0x71: {  	s0 =	rddreg [dreg:$0x0];
	s2 =	stileid.u32  }
0x72: {  	s1 =	rddreg [dreg:$0x1];
	p0 =	sne.s32 s2, $0x0  }
0x73: {  	s3 =	rddreg [dreg:$0x2];
	[bflag:$0x3] =	sbarrier.arrive $0xFFFF;
	s2 =	simm.s32 @!p0 $0x1C01  }
0x74: {  	[timem:s3], [sflag:s2] =	dma.local @!p0 [hbm:s0], s1  }
0x75: {  	s0 =	simm.s32 @!p0 $0x1  }
0x76: {  	_ =	swait.ge @!p0 [sflag:s0], s1  }
0x77: {  	s1 =	ssub.s32 @!p0 $0x0, s1;
	[sflag:s0] =	ssyncset.done @!p0 $0x0  }
0x78: {  	[sflag:s0] =	ssyncadd.s32 @!p0 s1  }
0x79: {  	[bflag:$0x3] =	sbarrier.arrive $0xFFFF  }
0x7a: {  	_ =	shalt  }

</sc_bundles>
